<compile_context>
chip_gen: v7x
topology: tpu7x:2x2x1
jax: 0.10.2.dev20260603
libtpu: 0.0.44.dev20260713+nightly
codegen_flags: <defaults>
</compile_context>

<pallas_src>
import functools

import jax
import jax.numpy as jnp
from jax import lax
from jax.experimental import pallas as pl
from jax.experimental.pallas import tpu as pltpu
from jax.experimental.pallas import tpu_sc as plsc

NC = 2
NS = 16
CH = 128
ACC_ROWS = 10240


def _sc_scatter(table, src_idx, dst_idx, n_out):
    width = table.shape[1]
    nch = src_idx.shape[2]
    rows_per = ACC_ROWS // NS
    zeros = jnp.zeros((ACC_ROWS, width), jnp.float32)
    mesh = plsc.VectorSubcoreMesh(core_axis_name="c", subcore_axis_name="s")

    @functools.partial(
        pl.kernel,
        mesh=mesh,
        out_type=jax.ShapeDtypeStruct((NC, ACC_ROWS, width), jnp.float32),
        scratch_types=[
            pltpu.VMEM((nch, CH), jnp.int32),
            pltpu.VMEM((nch, CH), jnp.int32),
            pltpu.VMEM((CH, width), jnp.float32),
            pltpu.VMEM_SHARED((ACC_ROWS, width), jnp.float32),
            pltpu.SemaphoreType.DMA,
        ],
    )
    def k(table_hbm, src_hbm, dst_hbm, z_hbm, out_hbm, src_v, dst_v, rows_v,
          acc, sem):
        c = lax.axis_index("c")
        s = lax.axis_index("s")
        pltpu.sync_copy(z_hbm.at[pl.ds(s * rows_per, rows_per)],
                        acc.at[pl.ds(s * rows_per, rows_per)])
        pltpu.sync_copy(src_hbm.at[c, s], src_v)
        pltpu.sync_copy(dst_hbm.at[c, s], dst_v)
        plsc.subcore_barrier()

        def body(j, carry):
            pltpu.async_copy(table_hbm.at[src_v.at[j]], rows_v, sem).wait()
            pltpu.sync_copy(rows_v, acc.at[dst_v.at[j]], add=True)
            return carry

        lax.fori_loop(0, nch, body, 0)
        plsc.subcore_barrier()
        pltpu.sync_copy(acc.at[pl.ds(s * rows_per, rows_per)],
                        out_hbm.at[c, pl.ds(s * rows_per, rows_per)])

    return k(table, src_idx, dst_idx, zeros)


def _tc_encoder1(aggp, x16, wr, wx, b1):
    n = x16.shape[0]
    bn = 1000

    def body(agg_ref, x_ref, wr_ref, wx_ref, b_ref, out_ref):
        a = agg_ref[0] + agg_ref[1]
        h = jnp.dot(a, wr_ref[...], preferred_element_type=jnp.float32)
        h = h + jnp.dot(x_ref[...], wx_ref[...],
                        preferred_element_type=jnp.float32)
        h = jnp.maximum(h + b_ref[...], 0.0)
        out_ref[0] = h[:, :128]
        out_ref[1] = h[:, 128:]

    return pl.pallas_call(
        body,
        grid=(n // bn,),
        in_specs=[
            pl.BlockSpec((2, bn, 128), lambda i: (0, i, 0)),
            pl.BlockSpec((bn, 16), lambda i: (i, 0)),
            pl.BlockSpec((128, 256), lambda i: (0, 0)),
            pl.BlockSpec((16, 256), lambda i: (0, 0)),
            pl.BlockSpec((1, 256), lambda i: (0, 0)),
        ],
        out_specs=pl.BlockSpec((2, bn, 128), lambda i: (0, i, 0)),
        out_shape=jax.ShapeDtypeStruct((2, n, 128), jnp.float32),
    )(aggp, x16, wr, wx, b1)


def _tc_decoder(agg2, h12, w2, b2, wlt, bl, wd, bd, wo, bo):
    n = h12.shape[1]
    bn = 1000

    def body(agg_ref, h1_ref, w2_ref, b2_ref, wl_ref, bl_ref, wd_ref, bd_ref,
             wo_ref, bo_ref, out_ref):
        h2 = jnp.dot(agg_ref[0], w2_ref[0], preferred_element_type=jnp.float32)
        h2 = h2 + jnp.dot(agg_ref[1], w2_ref[1],
                          preferred_element_type=jnp.float32)
        h2 = h2 + jnp.dot(h1_ref[0], w2_ref[2],
                          preferred_element_type=jnp.float32)
        h2 = h2 + jnp.dot(h1_ref[1], w2_ref[3],
                          preferred_element_type=jnp.float32)
        h2 = jnp.maximum(h2 + b2_ref[...], 0.0)
        h3 = jnp.dot(h2, wl_ref[...],
                     preferred_element_type=jnp.float32) + bl_ref[...]
        g = jnp.dot(h3, wd_ref[...],
                    preferred_element_type=jnp.float32) + bd_ref[...]
        g = jnp.where(g > 0.0, g, jnp.exp(jnp.minimum(g, 0.0)) - 1.0)
        out_ref[...] = jnp.dot(
            g, wo_ref[...], preferred_element_type=jnp.float32) + bo_ref[...]

    return pl.pallas_call(
        body,
        grid=(n // bn,),
        in_specs=[
            pl.BlockSpec((2, bn, 128), lambda i: (0, i, 0)),
            pl.BlockSpec((2, bn, 128), lambda i: (0, i, 0)),
            pl.BlockSpec((4, 128, 256), lambda i: (0, 0, 0)),
            pl.BlockSpec((1, 256), lambda i: (0, 0)),
            pl.BlockSpec((256, 384), lambda i: (0, 0)),
            pl.BlockSpec((1, 384), lambda i: (0, 0)),
            pl.BlockSpec((384, 192), lambda i: (0, 0)),
            pl.BlockSpec((1, 192), lambda i: (0, 0)),
            pl.BlockSpec((192, 8), lambda i: (0, 0)),
            pl.BlockSpec((1, 8), lambda i: (0, 0)),
        ],
        out_specs=pl.BlockSpec((bn, 8), lambda i: (i, 0)),
        out_shape=jax.ShapeDtypeStruct((n, 8), jnp.float32),
    )(agg2, h12, w2, b2, wlt, bl, wd, bd, wo, bo)


def kernel(x, edge_index, W1_rel, b1_rel, W1_root, W2_rel, b2_rel, W2_root,
           Wl, bl, Wd1, bd1, Wo1, bo1, Wd2, bd2, Wo2, bo2, Wd3, bd3, Wo3, bo3):
    n = x.shape[0]
    e = edge_index.shape[1]
    src = edge_index[0]
    dst = edge_index[1]

    nch1 = -(-e // (NC * NS * CH))
    e1 = NC * NS * nch1 * CH
    src1 = jnp.concatenate(
        [src, jnp.zeros((e1 - e,), jnp.int32)]).reshape(NC, NS, nch1, CH)
    dst1 = jnp.concatenate(
        [dst, jnp.full((e1 - e,), n, jnp.int32)]).reshape(NC, NS, nch1, CH)

    nch2 = -(-e // (NS * CH))
    e2 = NS * nch2 * CH
    srcp = jnp.concatenate(
        [src, jnp.zeros((e2 - e,), jnp.int32)]).reshape(NS, nch2, CH)
    src2 = jnp.stack([srcp, srcp + n])
    dstp = jnp.concatenate(
        [dst, jnp.full((e2 - e,), n, jnp.int32)]).reshape(NS, nch2, CH)
    dst2 = jnp.stack([dstp, dstp])

    x16 = jnp.pad(x, ((0, 0), (0, 16 - x.shape[1])))
    x128 = jnp.pad(x, ((0, 0), (0, 128 - x.shape[1])))

    aggp1 = _sc_scatter(x128, src1, dst1, n)

    wr1 = jnp.pad(W1_rel.T, ((0, 128 - W1_rel.shape[1]), (0, 0)))
    wx1 = jnp.pad(W1_root.T, ((0, 16 - W1_root.shape[1]), (0, 0)))
    h12 = _tc_encoder1(aggp1, x16, wr1, wx1, b1_rel[None])

    agg2 = _sc_scatter(h12.reshape(2 * n, 128), src2, dst2, n)

    w2 = jnp.stack([W2_rel.T[:128], W2_rel.T[128:],
                    W2_root.T[:128], W2_root.T[128:]])
    wd = (jnp.zeros((384, 192), jnp.float32)
          .at[0:128, 0:64].set(Wd1.T)
          .at[128:256, 64:128].set(Wd2.T)
          .at[256:384, 128:192].set(Wd3.T))
    bd = jnp.concatenate([bd1, bd2, bd3])
    wo = (jnp.zeros((192, 8), jnp.float32)
          .at[0:64, 0].set(Wo1[0])
          .at[64:128, 1].set(Wo2[0])
          .at[128:192, 2].set(Wo3[0]))
    bo = jnp.concatenate([bo1, bo2, bo3, jnp.zeros((5,), jnp.float32)])

    out8 = _tc_decoder(agg2, h12, w2, b2_rel[None], Wl.T, bl[None],
                       wd, bd[None], wo, bo[None])
    return out8[:, :3].reshape(n, 3, 1)

# --- scband reference (transcript-rebuilt; emitter-appended) ---
"""Pipeline reference for scband-mdn3-33775622815759 (READ-ONLY COPY).

The authoritative reference and input builder live on the scoring server;
editing this copy changes nothing except your own understanding.
"""

import jax, jax.numpy as jnp
import numpy as np

N = 10000
E = 160000
HID = 256
FEAT = 128


def setup_inputs(seed: int = 0):
    key = jax.random.key(seed)
    ks = jax.random.split(key, 32)
    s = 0.05
    inp = {}
    inp['x'] = jax.random.normal(ks[0], (N, 6), dtype=jnp.float32)
    inp['edge_index'] = jax.random.randint(ks[1], (2, E), 0, N, dtype=jnp.int32)
    # Encoder: GraphConv1 (lin_rel has bias, lin_root no bias)
    inp['W1_rel'] = jax.random.normal(ks[2], (HID, 6), dtype=jnp.float32) * s
    inp['b1_rel'] = jnp.zeros((HID,), dtype=jnp.float32)
    inp['W1_root'] = jax.random.normal(ks[3], (HID, 6), dtype=jnp.float32) * s
    # GraphConv2
    inp['W2_rel'] = jax.random.normal(ks[4], (HID, HID), dtype=jnp.float32) * s
    inp['b2_rel'] = jnp.zeros((HID,), dtype=jnp.float32)
    inp['W2_root'] = jax.random.normal(ks[5], (HID, HID), dtype=jnp.float32) * s
    # Encoder output linear: HID -> 3*FEAT
    inp['Wl'] = jax.random.normal(ks[6], (3 * FEAT, HID), dtype=jnp.float32) * s
    inp['bl'] = jnp.zeros((3 * FEAT,), dtype=jnp.float32)
    # Three decoders: Linear(FEAT,64) + elu + Linear(64,1)
    for i, k in zip((1, 2, 3), (7, 8, 9)):
        inp['Wd%d' % i] = jax.random.normal(ks[k], (64, FEAT), dtype=jnp.float32) * s
        inp['bd%d' % i] = jnp.zeros((64,), dtype=jnp.float32)
        inp['Wo%d' % i] = jax.random.normal(ks[k + 10], (1, 64), dtype=jnp.float32) * s
        inp['bo%d' % i] = jnp.zeros((1,), dtype=jnp.float32)
    return inp


def reference(x, edge_index, W1_rel, b1_rel, W1_root, W2_rel, b2_rel, W2_root, Wl, bl,
              Wd1, bd1, Wo1, bo1, Wd2, bd2, Wo2, bo2, Wd3, bd3, Wo3, bo3):
    src = edge_index[0]
    dst = edge_index[1]

    def gconv(h, Wr, br, Wroot):
        # PyG GraphConv: out_i = lin_rel(sum_{j in N(i)} x_j) + lin_root(x_i)
        agg = jnp.zeros(h.shape, h.dtype).at[dst].add(h[src])
        return agg @ Wr.T + br + h @ Wroot.T

    h = jax.nn.relu(gconv(x, W1_rel, b1_rel, W1_root))
    h = jax.nn.relu(gconv(h, W2_rel, b2_rel, W2_root))
    h = h @ Wl.T + bl
    interped = h.reshape(x.shape[0], 3, -1)

    def dec(z, Wd, bd, Wo, bo):
        hh = jax.nn.elu(z @ Wd.T + bd)
        return hh @ Wo.T + bo

    d1 = dec(interped[:, [0], :], Wd1, bd1, Wo1, bo1)
    d2 = dec(interped[:, [1], :], Wd2, bd2, Wo2, bo2)
    d3 = dec(interped[:, [2], :], Wd3, bd3, Wo3, bo3)
    return jnp.concatenate((d1, d2, d3), axis=1)

if __name__ == "__main__":
    import jax
    _d = setup_inputs()
    print(jax.jit(kernel)(*tuple(_d.values())))

</pallas_src>

<mosaic_0001>
#map = affine_map<(d0, d1) -> (0, 0)>
#map1 = affine_map<(d0, d1) -> (0, 0, 0, 0)>
#map2 = affine_map<(d0, d1) -> (0, 0, 0)>
module attributes {stable_mosaic.version = 14 : i64} {
  func.func @k(%arg0: i32, %arg1: i32, %arg2: memref<10000x128xf32, #tpu.memory_space<hbm>>, %arg3: memref<2x16x40x128xi32, #tpu.memory_space<hbm>>, %arg4: memref<2x16x40x128xi32, #tpu.memory_space<hbm>>, %arg5: memref<10240x128xf32, #tpu.memory_space<hbm>>, %arg6: memref<2x10240x128xf32, #tpu.memory_space<hbm>>, %arg7: memref<40x128xi32, #tpu.memory_space<vmem>>, %arg8: memref<40x128xi32, #tpu.memory_space<vmem>>, %arg9: memref<128x128xf32, #tpu.memory_space<vmem>>, %arg10: memref<10240x128xf32, #tpu.memory_space<vmem_shared>>, %arg11: memref<!tpu.dma_semaphore, #tpu.memory_space<semaphore_mem>>) attributes {dimension_semantics = [#tpu.dimension_semantics<core_parallel>, #tpu.dimension_semantics<subcore_parallel>], iteration_bounds = array<i64: 2, 16>, scalar_prefetch = 0 : i64, scratch_operands = 5 : i64, tpu.core_type = #tpu.core_type<sc_vector_subcore>, window_params = [{transform_indices = #map}, {transform_indices = #map1}, {transform_indices = #map1}, {transform_indices = #map}, {transform_indices = #map2}]} {
    %mul3A = arith.constant 640 : i32
    %mul3A_0 = arith.muli %arg1, %mul3A : i32
    %mul3A_1 = arith.constant 640 : i32
    %mul3A_2 = arith.muli %arg1, %mul3A_1 : i32
    "tpu.region"() ({
      %run_scoped3A = tpu.sem_alloc : memref<!tpu.dma_semaphore, #tpu.memory_space<semaphore_mem>>
      %dma_start3A = arith.constant 0 : i32
      %dma_start3A_13 = tpu.memref_slice %arg10[%mul3A_2, %dma_start3A] : memref<10240x128xf32, #tpu.memory_space<vmem_shared>> -> memref<640x128xf32, #tpu.memory_space<vmem_shared>>
      %dma_start3A_14 = arith.constant 0 : i32
      %dma_start3A_15 = tpu.memref_slice %arg5[%mul3A_0, %dma_start3A_14] : memref<10240x128xf32, #tpu.memory_space<hbm>> -> memref<640x128xf32, #tpu.memory_space<hbm>>
      tpu.enqueue_dma source(%dma_start3A_15 : memref<640x128xf32, #tpu.memory_space<hbm>>) target(%dma_start3A_13 : memref<640x128xf32, #tpu.memory_space<vmem_shared>>) target_semaphore(%run_scoped3A : memref<!tpu.dma_semaphore, #tpu.memory_space<semaphore_mem>>)
      %dma_wait3A = arith.constant 0 : i32
      %dma_wait3A_16 = tpu.memref_slice %arg10[%mul3A_2, %dma_wait3A] : memref<10240x128xf32, #tpu.memory_space<vmem_shared>> -> memref<640x128xf32, #tpu.memory_space<vmem_shared>>
      %dma_wait3A_17 = arith.constant 0 : i32
      %dma_wait3A_18 = tpu.memref_slice %arg5[%mul3A_0, %dma_wait3A_17] : memref<10240x128xf32, #tpu.memory_space<hbm>> -> memref<640x128xf32, #tpu.memory_space<hbm>>
      tpu.wait_dma2 semaphore(%run_scoped3A : memref<!tpu.dma_semaphore, #tpu.memory_space<semaphore_mem>>) src(%dma_wait3A_18 : memref<640x128xf32, #tpu.memory_space<hbm>>) dst(%dma_wait3A_16 : memref<640x128xf32, #tpu.memory_space<vmem_shared>>)
      tpu.yield
    }) : () -> ()
    "tpu.region"() ({
      %run_scoped3A = tpu.sem_alloc : memref<!tpu.dma_semaphore, #tpu.memory_space<semaphore_mem>>
      %dma_start3A = arith.constant 0 : i32
      %dma_start3A_13 = arith.constant 0 : i32
      %dma_start3A_14 = tpu.memref_slice %arg3[%arg0, %arg1, %dma_start3A, %dma_start3A_13] : memref<2x16x40x128xi32, #tpu.memory_space<hbm>> -> memref<1x1x40x128xi32, #tpu.memory_space<hbm>>
      %dma_start3A_15 = tpu.memref_squeeze %dma_start3A_14 : memref<1x1x40x128xi32, #tpu.memory_space<hbm>> -> memref<40x128xi32, #tpu.memory_space<hbm>>
      %dma_start3A_16 = arith.constant 0 : i32
      %dma_start3A_17 = arith.constant 0 : i32
      %dma_start3A_18 = tpu.memref_slice %arg3[%arg0, %arg1, %dma_start3A_16, %dma_start3A_17] : memref<2x16x40x128xi32, #tpu.memory_space<hbm>> -> memref<1x1x40x128xi32, #tpu.memory_space<hbm>>
      %dma_start3A_19 = tpu.memref_squeeze %dma_start3A_18 : memref<1x1x40x128xi32, #tpu.memory_space<hbm>> -> memref<40x128xi32, #tpu.memory_space<hbm>>
      tpu.enqueue_dma source(%dma_start3A_19 : memref<40x128xi32, #tpu.memory_space<hbm>>) target(%arg7 : memref<40x128xi32, #tpu.memory_space<vmem>>) target_semaphore(%run_scoped3A : memref<!tpu.dma_semaphore, #tpu.memory_space<semaphore_mem>>)
      %dma_wait3A = arith.constant 0 : i32
      %dma_wait3A_20 = arith.constant 0 : i32
      %dma_wait3A_21 = tpu.memref_slice %arg3[%arg0, %arg1, %dma_wait3A, %dma_wait3A_20] : memref<2x16x40x128xi32, #tpu.memory_space<hbm>> -> memref<1x1x40x128xi32, #tpu.memory_space<hbm>>
      %dma_wait3A_22 = tpu.memref_squeeze %dma_wait3A_21 : memref<1x1x40x128xi32, #tpu.memory_space<hbm>> -> memref<40x128xi32, #tpu.memory_space<hbm>>
      %dma_wait3A_23 = arith.constant 0 : i32
      %dma_wait3A_24 = arith.constant 0 : i32
      %dma_wait3A_25 = tpu.memref_slice %arg3[%arg0, %arg1, %dma_wait3A_23, %dma_wait3A_24] : memref<2x16x40x128xi32, #tpu.memory_space<hbm>> -> memref<1x1x40x128xi32, #tpu.memory_space<hbm>>
      %dma_wait3A_26 = tpu.memref_squeeze %dma_wait3A_25 : memref<1x1x40x128xi32, #tpu.memory_space<hbm>> -> memref<40x128xi32, #tpu.memory_space<hbm>>
      tpu.wait_dma2 semaphore(%run_scoped3A : memref<!tpu.dma_semaphore, #tpu.memory_space<semaphore_mem>>) src(%dma_wait3A_26 : memref<40x128xi32, #tpu.memory_space<hbm>>) dst(%arg7 : memref<40x128xi32, #tpu.memory_space<vmem>>)
      tpu.yield
    }) : () -> ()
    "tpu.region"() ({
      %run_scoped3A = tpu.sem_alloc : memref<!tpu.dma_semaphore, #tpu.memory_space<semaphore_mem>>
      %dma_start3A = arith.constant 0 : i32
      %dma_start3A_13 = arith.constant 0 : i32
      %dma_start3A_14 = tpu.memref_slice %arg4[%arg0, %arg1, %dma_start3A, %dma_start3A_13] : memref<2x16x40x128xi32, #tpu.memory_space<hbm>> -> memref<1x1x40x128xi32, #tpu.memory_space<hbm>>
      %dma_start3A_15 = tpu.memref_squeeze %dma_start3A_14 : memref<1x1x40x128xi32, #tpu.memory_space<hbm>> -> memref<40x128xi32, #tpu.memory_space<hbm>>
      %dma_start3A_16 = arith.constant 0 : i32
      %dma_start3A_17 = arith.constant 0 : i32
      %dma_start3A_18 = tpu.memref_slice %arg4[%arg0, %arg1, %dma_start3A_16, %dma_start3A_17] : memref<2x16x40x128xi32, #tpu.memory_space<hbm>> -> memref<1x1x40x128xi32, #tpu.memory_space<hbm>>
      %dma_start3A_19 = tpu.memref_squeeze %dma_start3A_18 : memref<1x1x40x128xi32, #tpu.memory_space<hbm>> -> memref<40x128xi32, #tpu.memory_space<hbm>>
      tpu.enqueue_dma source(%dma_start3A_19 : memref<40x128xi32, #tpu.memory_space<hbm>>) target(%arg8 : memref<40x128xi32, #tpu.memory_space<vmem>>) target_semaphore(%run_scoped3A : memref<!tpu.dma_semaphore, #tpu.memory_space<semaphore_mem>>)
      %dma_wait3A = arith.constant 0 : i32
      %dma_wait3A_20 = arith.constant 0 : i32
      %dma_wait3A_21 = tpu.memref_slice %arg4[%arg0, %arg1, %dma_wait3A, %dma_wait3A_20] : memref<2x16x40x128xi32, #tpu.memory_space<hbm>> -> memref<1x1x40x128xi32, #tpu.memory_space<hbm>>
      %dma_wait3A_22 = tpu.memref_squeeze %dma_wait3A_21 : memref<1x1x40x128xi32, #tpu.memory_space<hbm>> -> memref<40x128xi32, #tpu.memory_space<hbm>>
      %dma_wait3A_23 = arith.constant 0 : i32
      %dma_wait3A_24 = arith.constant 0 : i32
      %dma_wait3A_25 = tpu.memref_slice %arg4[%arg0, %arg1, %dma_wait3A_23, %dma_wait3A_24] : memref<2x16x40x128xi32, #tpu.memory_space<hbm>> -> memref<1x1x40x128xi32, #tpu.memory_space<hbm>>
      %dma_wait3A_26 = tpu.memref_squeeze %dma_wait3A_25 : memref<1x1x40x128xi32, #tpu.memory_space<hbm>> -> memref<40x128xi32, #tpu.memory_space<hbm>>
      tpu.wait_dma2 semaphore(%run_scoped3A : memref<!tpu.dma_semaphore, #tpu.memory_space<semaphore_mem>>) src(%dma_wait3A_26 : memref<40x128xi32, #tpu.memory_space<hbm>>) dst(%arg8 : memref<40x128xi32, #tpu.memory_space<vmem>>)
      tpu.yield
    }) : () -> ()
    %barrier3A = arith.constant 0 : index
    tpu.barrier barrier_id(%barrier3A)
    %scan3A = arith.constant 0 : i32
    %scan3A_3 = arith.constant 0 : i32
    %scan3A_4 = arith.constant 40 : i32
    %scan3A_5 = arith.addi %scan3A_3, %scan3A_4 : i32
    %scan3A_6 = arith.constant 1 : i32
    scf.for %scan3A_13 = %scan3A_3 to %scan3A_5 step %scan3A_6  : i32 {
      %dma_start3A = arith.constant 0 : i32
      %dma_start3A_14 = tpu.memref_slice %arg7[%scan3A_13, %dma_start3A] : memref<40x128xi32, #tpu.memory_space<vmem>> -> memref<1x128xi32, #tpu.memory_space<vmem>>
      %dma_start3A_15 = tpu.memref_squeeze %dma_start3A_14 : memref<1x128xi32, #tpu.memory_space<vmem>> -> memref<128xi32, #tpu.memory_space<vmem>>
      %dma_start3A_16 = arith.constant 0 : i32
      %dma_start3A_17 = arith.constant 0 : i32
      %dma_start3A_18 = tpu.memref_slice %arg2[%dma_start3A_16, %dma_start3A_17] : memref<10000x128xf32, #tpu.memory_space<hbm>> -> memref<10000x128xf32, #tpu.memory_space<hbm>>
      tpu.enqueue_indirect_dma source(%dma_start3A_18 : memref<10000x128xf32, #tpu.memory_space<hbm>>) target(%arg9 : memref<128x128xf32, #tpu.memory_space<vmem>>) offsets(%dma_start3A_15 : memref<128xi32, #tpu.memory_space<vmem>>) semaphore(%arg11 : memref<!tpu.dma_semaphore, #tpu.memory_space<semaphore_mem>>)
      %dma_wait3A = arith.constant 0 : i32
      %dma_wait3A_19 = tpu.memref_slice %arg7[%scan3A_13, %dma_wait3A] : memref<40x128xi32, #tpu.memory_space<vmem>> -> memref<1x128xi32, #tpu.memory_space<vmem>>
      %dma_wait3A_20 = tpu.memref_squeeze %dma_wait3A_19 : memref<1x128xi32, #tpu.memory_space<vmem>> -> memref<128xi32, #tpu.memory_space<vmem>>
      %dma_wait3A_21 = arith.constant 0 : i32
      %dma_wait3A_22 = arith.constant 0 : i32
      %dma_wait3A_23 = tpu.memref_slice %arg2[%dma_wait3A_21, %dma_wait3A_22] : memref<10000x128xf32, #tpu.memory_space<hbm>> -> memref<10000x128xf32, #tpu.memory_space<hbm>>
      tpu.wait_indirect_dma semaphore(%arg11 : memref<!tpu.dma_semaphore, #tpu.memory_space<semaphore_mem>>) src(%dma_wait3A_23 : memref<10000x128xf32, #tpu.memory_space<hbm>>) dst(%arg9 : memref<128x128xf32, #tpu.memory_space<vmem>>)
      "tpu.region"() ({
        %run_scoped3A = tpu.sem_alloc : memref<!tpu.dma_semaphore, #tpu.memory_space<semaphore_mem>>
        %dma_start3A_24 = arith.constant 0 : i32
        %dma_start3A_25 = tpu.memref_slice %arg8[%scan3A_13, %dma_start3A_24] : memref<40x128xi32, #tpu.memory_space<vmem>> -> memref<1x128xi32, #tpu.memory_space<vmem>>
        %dma_start3A_26 = tpu.memref_squeeze %dma_start3A_25 : memref<1x128xi32, #tpu.memory_space<vmem>> -> memref<128xi32, #tpu.memory_space<vmem>>
        %dma_start3A_27 = arith.constant 0 : i32
        %dma_start3A_28 = arith.constant 0 : i32
        %dma_start3A_29 = tpu.memref_slice %arg10[%dma_start3A_27, %dma_start3A_28] : memref<10240x128xf32, #tpu.memory_space<vmem_shared>> -> memref<10240x128xf32, #tpu.memory_space<vmem_shared>>
        tpu.enqueue_indirect_dma source(%arg9 : memref<128x128xf32, #tpu.memory_space<vmem>>) target(%dma_start3A_29 : memref<10240x128xf32, #tpu.memory_space<vmem_shared>>) offsets(%dma_start3A_26 : memref<128xi32, #tpu.memory_space<vmem>>) semaphore(%run_scoped3A : memref<!tpu.dma_semaphore, #tpu.memory_space<semaphore_mem>>) {add = true}
        %dma_wait3A_30 = arith.constant 0 : i32
        %dma_wait3A_31 = tpu.memref_slice %arg8[%scan3A_13, %dma_wait3A_30] : memref<40x128xi32, #tpu.memory_space<vmem>> -> memref<1x128xi32, #tpu.memory_space<vmem>>
        %dma_wait3A_32 = tpu.memref_squeeze %dma_wait3A_31 : memref<1x128xi32, #tpu.memory_space<vmem>> -> memref<128xi32, #tpu.memory_space<vmem>>
        %dma_wait3A_33 = arith.constant 0 : i32
        %dma_wait3A_34 = arith.constant 0 : i32
        %dma_wait3A_35 = tpu.memref_slice %arg10[%dma_wait3A_33, %dma_wait3A_34] : memref<10240x128xf32, #tpu.memory_space<vmem_shared>> -> memref<10240x128xf32, #tpu.memory_space<vmem_shared>>
        tpu.wait_indirect_dma semaphore(%run_scoped3A : memref<!tpu.dma_semaphore, #tpu.memory_space<semaphore_mem>>) src(%arg9 : memref<128x128xf32, #tpu.memory_space<vmem>>) dst(%dma_wait3A_35 : memref<10240x128xf32, #tpu.memory_space<vmem_shared>>)
        tpu.yield
      }) : () -> ()
    }
    %scan3A_7 = arith.constant 40 : i32
    %barrier3A_8 = arith.constant 0 : index
    tpu.barrier barrier_id(%barrier3A_8)
    %mul3A_9 = arith.constant 640 : i32
    %mul3A_10 = arith.muli %arg1, %mul3A_9 : i32
    %mul3A_11 = arith.constant 640 : i32
    %mul3A_12 = arith.muli %arg1, %mul3A_11 : i32
    "tpu.region"() ({
      %run_scoped3A = tpu.sem_alloc : memref<!tpu.dma_semaphore, #tpu.memory_space<semaphore_mem>>
      %dma_start3A = arith.constant 0 : i32
      %dma_start3A_13 = tpu.memref_slice %arg6[%arg0, %mul3A_12, %dma_start3A] : memref<2x10240x128xf32, #tpu.memory_space<hbm>> -> memref<1x640x128xf32, #tpu.memory_space<hbm>>
      %dma_start3A_14 = tpu.memref_squeeze %dma_start3A_13 : memref<1x640x128xf32, #tpu.memory_space<hbm>> -> memref<640x128xf32, #tpu.memory_space<hbm>>
      %dma_start3A_15 = arith.constant 0 : i32
      %dma_start3A_16 = tpu.memref_slice %arg10[%mul3A_10, %dma_start3A_15] : memref<10240x128xf32, #tpu.memory_space<vmem_shared>> -> memref<640x128xf32, #tpu.memory_space<vmem_shared>>
      tpu.enqueue_dma source(%dma_start3A_16 : memref<640x128xf32, #tpu.memory_space<vmem_shared>>) target(%dma_start3A_14 : memref<640x128xf32, #tpu.memory_space<hbm>>) target_semaphore(%run_scoped3A : memref<!tpu.dma_semaphore, #tpu.memory_space<semaphore_mem>>)
      %dma_wait3A = arith.constant 0 : i32
      %dma_wait3A_17 = tpu.memref_slice %arg6[%arg0, %mul3A_12, %dma_wait3A] : memref<2x10240x128xf32, #tpu.memory_space<hbm>> -> memref<1x640x128xf32, #tpu.memory_space<hbm>>
      %dma_wait3A_18 = tpu.memref_squeeze %dma_wait3A_17 : memref<1x640x128xf32, #tpu.memory_space<hbm>> -> memref<640x128xf32, #tpu.memory_space<hbm>>
      %dma_wait3A_19 = arith.constant 0 : i32
      %dma_wait3A_20 = tpu.memref_slice %arg10[%mul3A_10, %dma_wait3A_19] : memref<10240x128xf32, #tpu.memory_space<vmem_shared>> -> memref<640x128xf32, #tpu.memory_space<vmem_shared>>
      tpu.wait_dma2 semaphore(%run_scoped3A : memref<!tpu.dma_semaphore, #tpu.memory_space<semaphore_mem>>) src(%dma_wait3A_20 : memref<640x128xf32, #tpu.memory_space<vmem_shared>>) dst(%dma_wait3A_18 : memref<640x128xf32, #tpu.memory_space<hbm>>)
      tpu.yield
    }) : () -> ()
    return
  }
}

#map = affine_map<(d0, d1) -> (0, 0)>
#map1 = affine_map<(d0, d1) -> (0, 0, 0, 0)>
#map2 = affine_map<(d0, d1) -> (0, 0, 0)>
module attributes {stable_mosaic.version = 14 : i64} {
  func.func @k(%arg0: i32, %arg1: i32, %arg2: memref<20000x128xf32, #tpu.memory_space<hbm>>, %arg3: memref<2x16x79x128xi32, #tpu.memory_space<hbm>>, %arg4: memref<2x16x79x128xi32, #tpu.memory_space<hbm>>, %arg5: memref<10240x128xf32, #tpu.memory_space<hbm>>, %arg6: memref<2x10240x128xf32, #tpu.memory_space<hbm>>, %arg7: memref<79x128xi32, #tpu.memory_space<vmem>>, %arg8: memref<79x128xi32, #tpu.memory_space<vmem>>, %arg9: memref<128x128xf32, #tpu.memory_space<vmem>>, %arg10: memref<10240x128xf32, #tpu.memory_space<vmem_shared>>, %arg11: memref<!tpu.dma_semaphore, #tpu.memory_space<semaphore_mem>>) attributes {dimension_semantics = [#tpu.dimension_semantics<core_parallel>, #tpu.dimension_semantics<subcore_parallel>], iteration_bounds = array<i64: 2, 16>, scalar_prefetch = 0 : i64, scratch_operands = 5 : i64, tpu.core_type = #tpu.core_type<sc_vector_subcore>, window_params = [{transform_indices = #map}, {transform_indices = #map1}, {transform_indices = #map1}, {transform_indices = #map}, {transform_indices = #map2}]} {
    %mul3A = arith.constant 640 : i32
    %mul3A_0 = arith.muli %arg1, %mul3A : i32
    %mul3A_1 = arith.constant 640 : i32
    %mul3A_2 = arith.muli %arg1, %mul3A_1 : i32
    "tpu.region"() ({
      %run_scoped3A = tpu.sem_alloc : memref<!tpu.dma_semaphore, #tpu.memory_space<semaphore_mem>>
      %dma_start3A = arith.constant 0 : i32
      %dma_start3A_13 = tpu.memref_slice %arg10[%mul3A_2, %dma_start3A] : memref<10240x128xf32, #tpu.memory_space<vmem_shared>> -> memref<640x128xf32, #tpu.memory_space<vmem_shared>>
      %dma_start3A_14 = arith.constant 0 : i32
      %dma_start3A_15 = tpu.memref_slice %arg5[%mul3A_0, %dma_start3A_14] : memref<10240x128xf32, #tpu.memory_space<hbm>> -> memref<640x128xf32, #tpu.memory_space<hbm>>
      tpu.enqueue_dma source(%dma_start3A_15 : memref<640x128xf32, #tpu.memory_space<hbm>>) target(%dma_start3A_13 : memref<640x128xf32, #tpu.memory_space<vmem_shared>>) target_semaphore(%run_scoped3A : memref<!tpu.dma_semaphore, #tpu.memory_space<semaphore_mem>>)
      %dma_wait3A = arith.constant 0 : i32
      %dma_wait3A_16 = tpu.memref_slice %arg10[%mul3A_2, %dma_wait3A] : memref<10240x128xf32, #tpu.memory_space<vmem_shared>> -> memref<640x128xf32, #tpu.memory_space<vmem_shared>>
      %dma_wait3A_17 = arith.constant 0 : i32
      %dma_wait3A_18 = tpu.memref_slice %arg5[%mul3A_0, %dma_wait3A_17] : memref<10240x128xf32, #tpu.memory_space<hbm>> -> memref<640x128xf32, #tpu.memory_space<hbm>>
      tpu.wait_dma2 semaphore(%run_scoped3A : memref<!tpu.dma_semaphore, #tpu.memory_space<semaphore_mem>>) src(%dma_wait3A_18 : memref<640x128xf32, #tpu.memory_space<hbm>>) dst(%dma_wait3A_16 : memref<640x128xf32, #tpu.memory_space<vmem_shared>>)
      tpu.yield
    }) : () -> ()
    "tpu.region"() ({
      %run_scoped3A = tpu.sem_alloc : memref<!tpu.dma_semaphore, #tpu.memory_space<semaphore_mem>>
      %dma_start3A = arith.constant 0 : i32
      %dma_start3A_13 = arith.constant 0 : i32
      %dma_start3A_14 = tpu.memref_slice %arg3[%arg0, %arg1, %dma_start3A, %dma_start3A_13] : memref<2x16x79x128xi32, #tpu.memory_space<hbm>> -> memref<1x1x79x128xi32, #tpu.memory_space<hbm>>
      %dma_start3A_15 = tpu.memref_squeeze %dma_start3A_14 : memref<1x1x79x128xi32, #tpu.memory_space<hbm>> -> memref<79x128xi32, #tpu.memory_space<hbm>>
      %dma_start3A_16 = arith.constant 0 : i32
      %dma_start3A_17 = arith.constant 0 : i32
      %dma_start3A_18 = tpu.memref_slice %arg3[%arg0, %arg1, %dma_start3A_16, %dma_start3A_17] : memref<2x16x79x128xi32, #tpu.memory_space<hbm>> -> memref<1x1x79x128xi32, #tpu.memory_space<hbm>>
      %dma_start3A_19 = tpu.memref_squeeze %dma_start3A_18 : memref<1x1x79x128xi32, #tpu.memory_space<hbm>> -> memref<79x128xi32, #tpu.memory_space<hbm>>
      tpu.enqueue_dma source(%dma_start3A_19 : memref<79x128xi32, #tpu.memory_space<hbm>>) target(%arg7 : memref<79x128xi32, #tpu.memory_space<vmem>>) target_semaphore(%run_scoped3A : memref<!tpu.dma_semaphore, #tpu.memory_space<semaphore_mem>>)
      %dma_wait3A = arith.constant 0 : i32
      %dma_wait3A_20 = arith.constant 0 : i32
      %dma_wait3A_21 = tpu.memref_slice %arg3[%arg0, %arg1, %dma_wait3A, %dma_wait3A_20] : memref<2x16x79x128xi32, #tpu.memory_space<hbm>> -> memref<1x1x79x128xi32, #tpu.memory_space<hbm>>
      %dma_wait3A_22 = tpu.memref_squeeze %dma_wait3A_21 : memref<1x1x79x128xi32, #tpu.memory_space<hbm>> -> memref<79x128xi32, #tpu.memory_space<hbm>>
      %dma_wait3A_23 = arith.constant 0 : i32
      %dma_wait3A_24 = arith.constant 0 : i32
      %dma_wait3A_25 = tpu.memref_slice %arg3[%arg0, %arg1, %dma_wait3A_23, %dma_wait3A_24] : memref<2x16x79x128xi32, #tpu.memory_space<hbm>> -> memref<1x1x79x128xi32, #tpu.memory_space<hbm>>
      %dma_wait3A_26 = tpu.memref_squeeze %dma_wait3A_25 : memref<1x1x79x128xi32, #tpu.memory_space<hbm>> -> memref<79x128xi32, #tpu.memory_space<hbm>>
      tpu.wait_dma2 semaphore(%run_scoped3A : memref<!tpu.dma_semaphore, #tpu.memory_space<semaphore_mem>>) src(%dma_wait3A_26 : memref<79x128xi32, #tpu.memory_space<hbm>>) dst(%arg7 : memref<79x128xi32, #tpu.memory_space<vmem>>)
      tpu.yield
    }) : () -> ()
    "tpu.region"() ({
      %run_scoped3A = tpu.sem_alloc : memref<!tpu.dma_semaphore, #tpu.memory_space<semaphore_mem>>
      %dma_start3A = arith.constant 0 : i32
      %dma_start3A_13 = arith.constant 0 : i32
      %dma_start3A_14 = tpu.memref_slice %arg4[%arg0, %arg1, %dma_start3A, %dma_start3A_13] : memref<2x16x79x128xi32, #tpu.memory_space<hbm>> -> memref<1x1x79x128xi32, #tpu.memory_space<hbm>>
      %dma_start3A_15 = tpu.memref_squeeze %dma_start3A_14 : memref<1x1x79x128xi32, #tpu.memory_space<hbm>> -> memref<79x128xi32, #tpu.memory_space<hbm>>
      %dma_start3A_16 = arith.constant 0 : i32
      %dma_start3A_17 = arith.constant 0 : i32
      %dma_start3A_18 = tpu.memref_slice %arg4[%arg0, %arg1, %dma_start3A_16, %dma_start3A_17] : memref<2x16x79x128xi32, #tpu.memory_space<hbm>> -> memref<1x1x79x128xi32, #tpu.memory_space<hbm>>
      %dma_start3A_19 = tpu.memref_squeeze %dma_start3A_18 : memref<1x1x79x128xi32, #tpu.memory_space<hbm>> -> memref<79x128xi32, #tpu.memory_space<hbm>>
      tpu.enqueue_dma source(%dma_start3A_19 : memref<79x128xi32, #tpu.memory_space<hbm>>) target(%arg8 : memref<79x128xi32, #tpu.memory_space<vmem>>) target_semaphore(%run_scoped3A : memref<!tpu.dma_semaphore, #tpu.memory_space<semaphore_mem>>)
      %dma_wait3A = arith.constant 0 : i32
      %dma_wait3A_20 = arith.constant 0 : i32
      %dma_wait3A_21 = tpu.memref_slice %arg4[%arg0, %arg1, %dma_wait3A, %dma_wait3A_20] : memref<2x16x79x128xi32, #tpu.memory_space<hbm>> -> memref<1x1x79x128xi32, #tpu.memory_space<hbm>>
      %dma_wait3A_22 = tpu.memref_squeeze %dma_wait3A_21 : memref<1x1x79x128xi32, #tpu.memory_space<hbm>> -> memref<79x128xi32, #tpu.memory_space<hbm>>
      %dma_wait3A_23 = arith.constant 0 : i32
      %dma_wait3A_24 = arith.constant 0 : i32
      %dma_wait3A_25 = tpu.memref_slice %arg4[%arg0, %arg1, %dma_wait3A_23, %dma_wait3A_24] : memref<2x16x79x128xi32, #tpu.memory_space<hbm>> -> memref<1x1x79x128xi32, #tpu.memory_space<hbm>>
      %dma_wait3A_26 = tpu.memref_squeeze %dma_wait3A_25 : memref<1x1x79x128xi32, #tpu.memory_space<hbm>> -> memref<79x128xi32, #tpu.memory_space<hbm>>
      tpu.wait_dma2 semaphore(%run_scoped3A : memref<!tpu.dma_semaphore, #tpu.memory_space<semaphore_mem>>) src(%dma_wait3A_26 : memref<79x128xi32, #tpu.memory_space<hbm>>) dst(%arg8 : memref<79x128xi32, #tpu.memory_space<vmem>>)
      tpu.yield
    }) : () -> ()
    %barrier3A = arith.constant 0 : index
    tpu.barrier barrier_id(%barrier3A)
    %scan3A = arith.constant 0 : i32
    %scan3A_3 = arith.constant 0 : i32
    %scan3A_4 = arith.constant 79 : i32
    %scan3A_5 = arith.addi %scan3A_3, %scan3A_4 : i32
    %scan3A_6 = arith.constant 1 : i32
    scf.for %scan3A_13 = %scan3A_3 to %scan3A_5 step %scan3A_6  : i32 {
      %dma_start3A = arith.constant 0 : i32
      %dma_start3A_14 = tpu.memref_slice %arg7[%scan3A_13, %dma_start3A] : memref<79x128xi32, #tpu.memory_space<vmem>> -> memref<1x128xi32, #tpu.memory_space<vmem>>
      %dma_start3A_15 = tpu.memref_squeeze %dma_start3A_14 : memref<1x128xi32, #tpu.memory_space<vmem>> -> memref<128xi32, #tpu.memory_space<vmem>>
      %dma_start3A_16 = arith.constant 0 : i32
      %dma_start3A_17 = arith.constant 0 : i32
      %dma_start3A_18 = tpu.memref_slice %arg2[%dma_start3A_16, %dma_start3A_17] : memref<20000x128xf32, #tpu.memory_space<hbm>> -> memref<20000x128xf32, #tpu.memory_space<hbm>>
      tpu.enqueue_indirect_dma source(%dma_start3A_18 : memref<20000x128xf32, #tpu.memory_space<hbm>>) target(%arg9 : memref<128x128xf32, #tpu.memory_space<vmem>>) offsets(%dma_start3A_15 : memref<128xi32, #tpu.memory_space<vmem>>) semaphore(%arg11 : memref<!tpu.dma_semaphore, #tpu.memory_space<semaphore_mem>>)
      %dma_wait3A = arith.constant 0 : i32
      %dma_wait3A_19 = tpu.memref_slice %arg7[%scan3A_13, %dma_wait3A] : memref<79x128xi32, #tpu.memory_space<vmem>> -> memref<1x128xi32, #tpu.memory_space<vmem>>
      %dma_wait3A_20 = tpu.memref_squeeze %dma_wait3A_19 : memref<1x128xi32, #tpu.memory_space<vmem>> -> memref<128xi32, #tpu.memory_space<vmem>>
      %dma_wait3A_21 = arith.constant 0 : i32
      %dma_wait3A_22 = arith.constant 0 : i32
      %dma_wait3A_23 = tpu.memref_slice %arg2[%dma_wait3A_21, %dma_wait3A_22] : memref<20000x128xf32, #tpu.memory_space<hbm>> -> memref<20000x128xf32, #tpu.memory_space<hbm>>
      tpu.wait_indirect_dma semaphore(%arg11 : memref<!tpu.dma_semaphore, #tpu.memory_space<semaphore_mem>>) src(%dma_wait3A_23 : memref<20000x128xf32, #tpu.memory_space<hbm>>) dst(%arg9 : memref<128x128xf32, #tpu.memory_space<vmem>>)
      "tpu.region"() ({
        %run_scoped3A = tpu.sem_alloc : memref<!tpu.dma_semaphore, #tpu.memory_space<semaphore_mem>>
        %dma_start3A_24 = arith.constant 0 : i32
        %dma_start3A_25 = tpu.memref_slice %arg8[%scan3A_13, %dma_start3A_24] : memref<79x128xi32, #tpu.memory_space<vmem>> -> memref<1x128xi32, #tpu.memory_space<vmem>>
        %dma_start3A_26 = tpu.memref_squeeze %dma_start3A_25 : memref<1x128xi32, #tpu.memory_space<vmem>> -> memref<128xi32, #tpu.memory_space<vmem>>
        %dma_start3A_27 = arith.constant 0 : i32
        %dma_start3A_28 = arith.constant 0 : i32
        %dma_start3A_29 = tpu.memref_slice %arg10[%dma_start3A_27, %dma_start3A_28] : memref<10240x128xf32, #tpu.memory_space<vmem_shared>> -> memref<10240x128xf32, #tpu.memory_space<vmem_shared>>
        tpu.enqueue_indirect_dma source(%arg9 : memref<128x128xf32, #tpu.memory_space<vmem>>) target(%dma_start3A_29 : memref<10240x128xf32, #tpu.memory_space<vmem_shared>>) offsets(%dma_start3A_26 : memref<128xi32, #tpu.memory_space<vmem>>) semaphore(%run_scoped3A : memref<!tpu.dma_semaphore, #tpu.memory_space<semaphore_mem>>) {add = true}
        %dma_wait3A_30 = arith.constant 0 : i32
        %dma_wait3A_31 = tpu.memref_slice %arg8[%scan3A_13, %dma_wait3A_30] : memref<79x128xi32, #tpu.memory_space<vmem>> -> memref<1x128xi32, #tpu.memory_space<vmem>>
        %dma_wait3A_32 = tpu.memref_squeeze %dma_wait3A_31 : memref<1x128xi32, #tpu.memory_space<vmem>> -> memref<128xi32, #tpu.memory_space<vmem>>
        %dma_wait3A_33 = arith.constant 0 : i32
        %dma_wait3A_34 = arith.constant 0 : i32
        %dma_wait3A_35 = tpu.memref_slice %arg10[%dma_wait3A_33, %dma_wait3A_34] : memref<10240x128xf32, #tpu.memory_space<vmem_shared>> -> memref<10240x128xf32, #tpu.memory_space<vmem_shared>>
        tpu.wait_indirect_dma semaphore(%run_scoped3A : memref<!tpu.dma_semaphore, #tpu.memory_space<semaphore_mem>>) src(%arg9 : memref<128x128xf32, #tpu.memory_space<vmem>>) dst(%dma_wait3A_35 : memref<10240x128xf32, #tpu.memory_space<vmem_shared>>)
        tpu.yield
      }) : () -> ()
    }
    %scan3A_7 = arith.constant 79 : i32
    %barrier3A_8 = arith.constant 0 : index
    tpu.barrier barrier_id(%barrier3A_8)
    %mul3A_9 = arith.constant 640 : i32
    %mul3A_10 = arith.muli %arg1, %mul3A_9 : i32
    %mul3A_11 = arith.constant 640 : i32
    %mul3A_12 = arith.muli %arg1, %mul3A_11 : i32
    "tpu.region"() ({
      %run_scoped3A = tpu.sem_alloc : memref<!tpu.dma_semaphore, #tpu.memory_space<semaphore_mem>>
      %dma_start3A = arith.constant 0 : i32
      %dma_start3A_13 = tpu.memref_slice %arg6[%arg0, %mul3A_12, %dma_start3A] : memref<2x10240x128xf32, #tpu.memory_space<hbm>> -> memref<1x640x128xf32, #tpu.memory_space<hbm>>
      %dma_start3A_14 = tpu.memref_squeeze %dma_start3A_13 : memref<1x640x128xf32, #tpu.memory_space<hbm>> -> memref<640x128xf32, #tpu.memory_space<hbm>>
      %dma_start3A_15 = arith.constant 0 : i32
      %dma_start3A_16 = tpu.memref_slice %arg10[%mul3A_10, %dma_start3A_15] : memref<10240x128xf32, #tpu.memory_space<vmem_shared>> -> memref<640x128xf32, #tpu.memory_space<vmem_shared>>
      tpu.enqueue_dma source(%dma_start3A_16 : memref<640x128xf32, #tpu.memory_space<vmem_shared>>) target(%dma_start3A_14 : memref<640x128xf32, #tpu.memory_space<hbm>>) target_semaphore(%run_scoped3A : memref<!tpu.dma_semaphore, #tpu.memory_space<semaphore_mem>>)
      %dma_wait3A = arith.constant 0 : i32
      %dma_wait3A_17 = tpu.memref_slice %arg6[%arg0, %mul3A_12, %dma_wait3A] : memref<2x10240x128xf32, #tpu.memory_space<hbm>> -> memref<1x640x128xf32, #tpu.memory_space<hbm>>
      %dma_wait3A_18 = tpu.memref_squeeze %dma_wait3A_17 : memref<1x640x128xf32, #tpu.memory_space<hbm>> -> memref<640x128xf32, #tpu.memory_space<hbm>>
      %dma_wait3A_19 = arith.constant 0 : i32
      %dma_wait3A_20 = tpu.memref_slice %arg10[%mul3A_10, %dma_wait3A_19] : memref<10240x128xf32, #tpu.memory_space<vmem_shared>> -> memref<640x128xf32, #tpu.memory_space<vmem_shared>>
      tpu.wait_dma2 semaphore(%run_scoped3A : memref<!tpu.dma_semaphore, #tpu.memory_space<semaphore_mem>>) src(%dma_wait3A_20 : memref<640x128xf32, #tpu.memory_space<vmem_shared>>) dst(%dma_wait3A_18 : memref<640x128xf32, #tpu.memory_space<hbm>>)
      tpu.yield
    }) : () -> ()
    return
  }
}

module attributes {stable_mosaic.version = 14 : i64} {
  func.func @body(%arg0: i32, %arg1: memref<2x1000x128xf32, #tpu.memory_space<vmem>>, %arg2: memref<1000x16xf32, #tpu.memory_space<vmem>>, %arg3: memref<128x256xf32, #tpu.memory_space<vmem>>, %arg4: memref<16x256xf32, #tpu.memory_space<vmem>>, %arg5: memref<1x256xf32, #tpu.memory_space<vmem>>, %arg6: memref<2x1000x128xf32, #tpu.memory_space<vmem>>) attributes {dimension_semantics = [#tpu.dimension_semantics<arbitrary>], iteration_bounds = array<i64: 10>, scalar_prefetch = 0 : i64, scratch_operands = 0 : i64, tpu.core_type = #tpu.core_type<tc>, window_params = [{transform_indices = @transform_0, window_bounds = array<i64: 2, 1000, 128>}, {transform_indices = @transform_1, window_bounds = array<i64: 1000, 16>}, {pipeline_mode = #tpu.pipeline_mode<synchronous>, transform_indices = @transform_2, window_bounds = array<i64: 128, 256>}, {pipeline_mode = #tpu.pipeline_mode<synchronous>, transform_indices = @transform_3, window_bounds = array<i64: 16, 256>}, {pipeline_mode = #tpu.pipeline_mode<synchronous>, transform_indices = @transform_4, window_bounds = array<i64: 1, 256>}, {transform_indices = @transform_5, window_bounds = array<i64: 2, 1000, 128>}]} {
    %get3A = arith.constant 0 : index
    %get3A_0 = arith.constant 0 : index
    %get3A_1 = arith.constant 0 : index
    %get3A_2 = vector.load %arg1[%get3A, %get3A_0, %get3A_1] : memref<2x1000x128xf32, #tpu.memory_space<vmem>>, vector<1x1000x128xf32>
    %get3A_3 = vector.shape_cast %get3A_2 : vector<1x1000x128xf32> to vector<1000x128xf32>
    %get3A_4 = arith.constant 1 : index
    %get3A_5 = arith.constant 0 : index
    %get3A_6 = arith.constant 0 : index
    %get3A_7 = vector.load %arg1[%get3A_4, %get3A_5, %get3A_6] : memref<2x1000x128xf32, #tpu.memory_space<vmem>>, vector<1x1000x128xf32>
    %get3A_8 = vector.shape_cast %get3A_7 : vector<1x1000x128xf32> to vector<1000x128xf32>
    %add3A = arith.addf %get3A_3, %get3A_8 : vector<1000x128xf32>
    %get3A_9 = arith.constant 0 : index
    %get3A_10 = arith.constant 0 : index
    %get3A_11 = vector.load %arg3[%get3A_9, %get3A_10] : memref<128x256xf32, #tpu.memory_space<vmem>>, vector<128x256xf32>
    %dot_general3A = arith.constant dense<0.000000e+00> : vector<1000x256xf32>
    %dot_general3A_12 = tpu.matmul %add3A, %get3A_11, %dot_general3A {dimension_numbers = #tpu.dot_dimension_numbers<[1], [0], [0], [1], [0, 0, 1, 1], [], []>, transpose_lhs_hint = false} : vector<1000x128xf32>, vector<128x256xf32>, vector<1000x256xf32> -> vector<1000x256xf32>
    %get3A_13 = arith.constant 0 : index
    %get3A_14 = arith.constant 0 : index
    %get3A_15 = vector.load %arg2[%get3A_13, %get3A_14] : memref<1000x16xf32, #tpu.memory_space<vmem>>, vector<1000x16xf32>
    %get3A_16 = arith.constant 0 : index
    %get3A_17 = arith.constant 0 : index
    %get3A_18 = vector.load %arg4[%get3A_16, %get3A_17] : memref<16x256xf32, #tpu.memory_space<vmem>>, vector<16x256xf32>
    %dot_general3A_19 = arith.constant dense<0.000000e+00> : vector<1000x256xf32>
    %dot_general3A_20 = tpu.matmul %get3A_15, %get3A_18, %dot_general3A_19 {dimension_numbers = #tpu.dot_dimension_numbers<[1], [0], [0], [1], [0, 0, 1, 1], [], []>, transpose_lhs_hint = false} : vector<1000x16xf32>, vector<16x256xf32>, vector<1000x256xf32> -> vector<1000x256xf32>
    %add3A_21 = arith.addf %dot_general3A_12, %dot_general3A_20 : vector<1000x256xf32>
    %get3A_22 = arith.constant 0 : index
    %get3A_23 = arith.constant 0 : index
    %get3A_24 = vector.load %arg5[%get3A_22, %get3A_23] : memref<1x256xf32, #tpu.memory_space<vmem>>, vector<1x256xf32>
    %add3A_25 = vector.broadcast %get3A_24 : vector<1x256xf32> to vector<1000x256xf32>
    %add3A_26 = arith.addf %add3A_21, %add3A_25 : vector<1000x256xf32>
    %max3A = arith.constant 0.000000e+00 : f32
    %max3A_27 = vector.broadcast %max3A : f32 to vector<1000x256xf32>
    %max3A_28 = arith.maximumf %add3A_26, %max3A_27 : vector<1000x256xf32>
    %slice3A = vector.extract_strided_slice %max3A_28 {offsets = [0, 0], sizes = [1000, 128], strides = [1, 1]} : vector<1000x256xf32> to vector<1000x128xf32>
    %swap3A = arith.constant 0 : index
    %swap3A_29 = arith.constant 0 : index
    %swap3A_30 = arith.constant 0 : index
    %swap3A_31 = vector.load %arg6[%swap3A, %swap3A_29, %swap3A_30] : memref<2x1000x128xf32, #tpu.memory_space<vmem>>, vector<1x1000x128xf32>
    %swap3A_32 = vector.shape_cast %swap3A_31 : vector<1x1000x128xf32> to vector<1000x128xf32>
    %swap3A_33 = vector.shape_cast %slice3A : vector<1000x128xf32> to vector<1x1000x128xf32>
    tpu.vector_store %arg6[%swap3A, %swap3A_29, %swap3A_30], %swap3A_33 {strides = array<i32>} : memref<2x1000x128xf32, #tpu.memory_space<vmem>>, vector<1x1000x128xf32>,
    %slice3A_34 = vector.extract_strided_slice %max3A_28 {offsets = [0, 128], sizes = [1000, 128], strides = [1, 1]} : vector<1000x256xf32> to vector<1000x128xf32>
    %swap3A_35 = arith.constant 1 : index
    %swap3A_36 = arith.constant 0 : index
    %swap3A_37 = arith.constant 0 : index
    %swap3A_38 = vector.load %arg6[%swap3A_35, %swap3A_36, %swap3A_37] : memref<2x1000x128xf32, #tpu.memory_space<vmem>>, vector<1x1000x128xf32>
    %swap3A_39 = vector.shape_cast %swap3A_38 : vector<1x1000x128xf32> to vector<1000x128xf32>
    %swap3A_40 = vector.shape_cast %slice3A_34 : vector<1000x128xf32> to vector<1x1000x128xf32>
    tpu.vector_store %arg6[%swap3A_35, %swap3A_36, %swap3A_37], %swap3A_40 {strides = array<i32>} : memref<2x1000x128xf32, #tpu.memory_space<vmem>>, vector<1x1000x128xf32>,
    return
  }
  func.func @transform_0(%arg0: i32) -> (i32, i32, i32) {
    %c0_i32 = arith.constant 0 : i32
    %c0_i32_0 = arith.constant 0 : i32
    %c0_i32_1 = arith.constant 0 : i32
    return %c0_i32, %arg0, %c0_i32_0 : i32, i32, i32
  }
  func.func @transform_1(%arg0: i32) -> (i32, i32) {
    %c0_i32 = arith.constant 0 : i32
    %c0_i32_0 = arith.constant 0 : i32
    return %arg0, %c0_i32 : i32, i32
  }
  func.func @transform_2(%arg0: i32) -> (i32, i32) {
    %c0_i32 = arith.constant 0 : i32
    %c0_i32_0 = arith.constant 0 : i32
    %c0_i32_1 = arith.constant 0 : i32
    return %c0_i32, %c0_i32_0 : i32, i32
  }
  func.func @transform_3(%arg0: i32) -> (i32, i32) {
    %c0_i32 = arith.constant 0 : i32
    %c0_i32_0 = arith.constant 0 : i32
    %c0_i32_1 = arith.constant 0 : i32
    return %c0_i32, %c0_i32_0 : i32, i32
  }
  func.func @transform_4(%arg0: i32) -> (i32, i32) {
    %c0_i32 = arith.constant 0 : i32
    %c0_i32_0 = arith.constant 0 : i32
    %c0_i32_1 = arith.constant 0 : i32
    return %c0_i32, %c0_i32_0 : i32, i32
  }
  func.func @transform_5(%arg0: i32) -> (i32, i32, i32) {
    %c0_i32 = arith.constant 0 : i32
    %c0_i32_0 = arith.constant 0 : i32
    %c0_i32_1 = arith.constant 0 : i32
    return %c0_i32, %arg0, %c0_i32_0 : i32, i32, i32
  }
}

module attributes {stable_mosaic.version = 14 : i64} {
  func.func @body(%arg0: i32, %arg1: memref<2x1000x128xf32, #tpu.memory_space<vmem>>, %arg2: memref<2x1000x128xf32, #tpu.memory_space<vmem>>, %arg3: memref<4x128x256xf32, #tpu.memory_space<vmem>>, %arg4: memref<1x256xf32, #tpu.memory_space<vmem>>, %arg5: memref<256x384xf32, #tpu.memory_space<vmem>>, %arg6: memref<1x384xf32, #tpu.memory_space<vmem>>, %arg7: memref<384x192xf32, #tpu.memory_space<vmem>>, %arg8: memref<1x192xf32, #tpu.memory_space<vmem>>, %arg9: memref<192x8xf32, #tpu.memory_space<vmem>>, %arg10: memref<1x8xf32, #tpu.memory_space<vmem>>, %arg11: memref<1000x8xf32, #tpu.memory_space<vmem>>) attributes {dimension_semantics = [#tpu.dimension_semantics<arbitrary>], iteration_bounds = array<i64: 10>, scalar_prefetch = 0 : i64, scratch_operands = 0 : i64, tpu.core_type = #tpu.core_type<tc>, window_params = [{transform_indices = @transform_0, window_bounds = array<i64: 2, 1000, 128>}, {transform_indices = @transform_1, window_bounds = array<i64: 2, 1000, 128>}, {pipeline_mode = #tpu.pipeline_mode<synchronous>, transform_indices = @transform_2, window_bounds = array<i64: 4, 128, 256>}, {pipeline_mode = #tpu.pipeline_mode<synchronous>, transform_indices = @transform_3, window_bounds = array<i64: 1, 256>}, {pipeline_mode = #tpu.pipeline_mode<synchronous>, transform_indices = @transform_4, window_bounds = array<i64: 256, 384>}, {pipeline_mode = #tpu.pipeline_mode<synchronous>, transform_indices = @transform_5, window_bounds = array<i64: 1, 384>}, {pipeline_mode = #tpu.pipeline_mode<synchronous>, transform_indices = @transform_6, window_bounds = array<i64: 384, 192>}, {pipeline_mode = #tpu.pipeline_mode<synchronous>, transform_indices = @transform_7, window_bounds = array<i64: 1, 192>}, {pipeline_mode = #tpu.pipeline_mode<synchronous>, transform_indices = @transform_8, window_bounds = array<i64: 192, 8>}, {pipeline_mode = #tpu.pipeline_mode<synchronous>, transform_indices = @transform_9, window_bounds = array<i64: 1, 8>}, {transform_indices = @transform_10, window_bounds = array<i64: 1000, 8>}]} {
    %get3A = arith.constant 0 : index
    %get3A_0 = arith.constant 0 : index
    %get3A_1 = arith.constant 0 : index
    %get3A_2 = vector.load %arg1[%get3A, %get3A_0, %get3A_1] : memref<2x1000x128xf32, #tpu.memory_space<vmem>>, vector<1x1000x128xf32>
    %get3A_3 = vector.shape_cast %get3A_2 : vector<1x1000x128xf32> to vector<1000x128xf32>
    %get3A_4 = arith.constant 0 : index
    %get3A_5 = arith.constant 0 : index
    %get3A_6 = arith.constant 0 : index
    %get3A_7 = vector.load %arg3[%get3A_4, %get3A_5, %get3A_6] : memref<4x128x256xf32, #tpu.memory_space<vmem>>, vector<1x128x256xf32>
    %get3A_8 = vector.shape_cast %get3A_7 : vector<1x128x256xf32> to vector<128x256xf32>
    %dot_general3A = arith.constant dense<0.000000e+00> : vector<1000x256xf32>
    %dot_general3A_9 = tpu.matmul %get3A_3, %get3A_8, %dot_general3A {dimension_numbers = #tpu.dot_dimension_numbers<[1], [0], [0], [1], [0, 0, 1, 1], [], []>, transpose_lhs_hint = false} : vector<1000x128xf32>, vector<128x256xf32>, vector<1000x256xf32> -> vector<1000x256xf32>
    %get3A_10 = arith.constant 1 : index
    %get3A_11 = arith.constant 0 : index
    %get3A_12 = arith.constant 0 : index
    %get3A_13 = vector.load %arg1[%get3A_10, %get3A_11, %get3A_12] : memref<2x1000x128xf32, #tpu.memory_space<vmem>>, vector<1x1000x128xf32>
    %get3A_14 = vector.shape_cast %get3A_13 : vector<1x1000x128xf32> to vector<1000x128xf32>
    %get3A_15 = arith.constant 1 : index
    %get3A_16 = arith.constant 0 : index
    %get3A_17 = arith.constant 0 : index
    %get3A_18 = vector.load %arg3[%get3A_15, %get3A_16, %get3A_17] : memref<4x128x256xf32, #tpu.memory_space<vmem>>, vector<1x128x256xf32>
    %get3A_19 = vector.shape_cast %get3A_18 : vector<1x128x256xf32> to vector<128x256xf32>
    %dot_general3A_20 = arith.constant dense<0.000000e+00> : vector<1000x256xf32>
    %dot_general3A_21 = tpu.matmul %get3A_14, %get3A_19, %dot_general3A_20 {dimension_numbers = #tpu.dot_dimension_numbers<[1], [0], [0], [1], [0, 0, 1, 1], [], []>, transpose_lhs_hint = false} : vector<1000x128xf32>, vector<128x256xf32>, vector<1000x256xf32> -> vector<1000x256xf32>
    %add3A = arith.addf %dot_general3A_9, %dot_general3A_21 : vector<1000x256xf32>
    %get3A_22 = arith.constant 0 : index
    %get3A_23 = arith.constant 0 : index
    %get3A_24 = arith.constant 0 : index
    %get3A_25 = vector.load %arg2[%get3A_22, %get3A_23, %get3A_24] : memref<2x1000x128xf32, #tpu.memory_space<vmem>>, vector<1x1000x128xf32>
    %get3A_26 = vector.shape_cast %get3A_25 : vector<1x1000x128xf32> to vector<1000x128xf32>
    %get3A_27 = arith.constant 2 : index
    %get3A_28 = arith.constant 0 : index
    %get3A_29 = arith.constant 0 : index
    %get3A_30 = vector.load %arg3[%get3A_27, %get3A_28, %get3A_29] : memref<4x128x256xf32, #tpu.memory_space<vmem>>, vector<1x128x256xf32>
    %get3A_31 = vector.shape_cast %get3A_30 : vector<1x128x256xf32> to vector<128x256xf32>
    %dot_general3A_32 = arith.constant dense<0.000000e+00> : vector<1000x256xf32>
    %dot_general3A_33 = tpu.matmul %get3A_26, %get3A_31, %dot_general3A_32 {dimension_numbers = #tpu.dot_dimension_numbers<[1], [0], [0], [1], [0, 0, 1, 1], [], []>, transpose_lhs_hint = false} : vector<1000x128xf32>, vector<128x256xf32>, vector<1000x256xf32> -> vector<1000x256xf32>
    %add3A_34 = arith.addf %add3A, %dot_general3A_33 : vector<1000x256xf32>
    %get3A_35 = arith.constant 1 : index
    %get3A_36 = arith.constant 0 : index
    %get3A_37 = arith.constant 0 : index
    %get3A_38 = vector.load %arg2[%get3A_35, %get3A_36, %get3A_37] : memref<2x1000x128xf32, #tpu.memory_space<vmem>>, vector<1x1000x128xf32>
    %get3A_39 = vector.shape_cast %get3A_38 : vector<1x1000x128xf32> to vector<1000x128xf32>
    %get3A_40 = arith.constant 3 : index
    %get3A_41 = arith.constant 0 : index
    %get3A_42 = arith.constant 0 : index
    %get3A_43 = vector.load %arg3[%get3A_40, %get3A_41, %get3A_42] : memref<4x128x256xf32, #tpu.memory_space<vmem>>, vector<1x128x256xf32>
    %get3A_44 = vector.shape_cast %get3A_43 : vector<1x128x256xf32> to vector<128x256xf32>
    %dot_general3A_45 = arith.constant dense<0.000000e+00> : vector<1000x256xf32>
    %dot_general3A_46 = tpu.matmul %get3A_39, %get3A_44, %dot_general3A_45 {dimension_numbers = #tpu.dot_dimension_numbers<[1], [0], [0], [1], [0, 0, 1, 1], [], []>, transpose_lhs_hint = false} : vector<1000x128xf32>, vector<128x256xf32>, vector<1000x256xf32> -> vector<1000x256xf32>
    %add3A_47 = arith.addf %add3A_34, %dot_general3A_46 : vector<1000x256xf32>
    %get3A_48 = arith.constant 0 : index
    %get3A_49 = arith.constant 0 : index
    %get3A_50 = vector.load %arg4[%get3A_48, %get3A_49] : memref<1x256xf32, #tpu.memory_space<vmem>>, vector<1x256xf32>
    %add3A_51 = vector.broadcast %get3A_50 : vector<1x256xf32> to vector<1000x256xf32>
    %add3A_52 = arith.addf %add3A_47, %add3A_51 : vector<1000x256xf32>
    %max3A = arith.constant 0.000000e+00 : f32
    %max3A_53 = vector.broadcast %max3A : f32 to vector<1000x256xf32>
    %max3A_54 = arith.maximumf %add3A_52, %max3A_53 : vector<1000x256xf32>
    %get3A_55 = arith.constant 0 : index
    %get3A_56 = arith.constant 0 : index
    %get3A_57 = vector.load %arg5[%get3A_55, %get3A_56] : memref<256x384xf32, #tpu.memory_space<vmem>>, vector<256x384xf32>
    %dot_general3A_58 = arith.constant dense<0.000000e+00> : vector<1000x384xf32>
    %dot_general3A_59 = tpu.matmul %max3A_54, %get3A_57, %dot_general3A_58 {dimension_numbers = #tpu.dot_dimension_numbers<[1], [0], [0], [1], [0, 0, 1, 1], [], []>, transpose_lhs_hint = false} : vector<1000x256xf32>, vector<256x384xf32>, vector<1000x384xf32> -> vector<1000x384xf32>
    %get3A_60 = arith.constant 0 : index
    %get3A_61 = arith.constant 0 : index
    %get3A_62 = vector.load %arg6[%get3A_60, %get3A_61] : memref<1x384xf32, #tpu.memory_space<vmem>>, vector<1x384xf32>
    %add3A_63 = vector.broadcast %get3A_62 : vector<1x384xf32> to vector<1000x384xf32>
    %add3A_64 = arith.addf %dot_general3A_59, %add3A_63 : vector<1000x384xf32>
    %get3A_65 = arith.constant 0 : index
    %get3A_66 = arith.constant 0 : index
    %get3A_67 = vector.load %arg7[%get3A_65, %get3A_66] : memref<384x192xf32, #tpu.memory_space<vmem>>, vector<384x192xf32>
    %dot_general3A_68 = arith.constant dense<0.000000e+00> : vector<1000x192xf32>
    %dot_general3A_69 = tpu.matmul %add3A_64, %get3A_67, %dot_general3A_68 {dimension_numbers = #tpu.dot_dimension_numbers<[1], [0], [0], [1], [0, 0, 1, 1], [], []>, transpose_lhs_hint = false} : vector<1000x384xf32>, vector<384x192xf32>, vector<1000x192xf32> -> vector<1000x192xf32>
    %get3A_70 = arith.constant 0 : index
    %get3A_71 = arith.constant 0 : index
    %get3A_72 = vector.load %arg8[%get3A_70, %get3A_71] : memref<1x192xf32, #tpu.memory_space<vmem>>, vector<1x192xf32>
    %add3A_73 = vector.broadcast %get3A_72 : vector<1x192xf32> to vector<1000x192xf32>
    %add3A_74 = arith.addf %dot_general3A_69, %add3A_73 : vector<1000x192xf32>
    %gt3A = arith.constant 0.000000e+00 : f32
    %gt3A_75 = vector.broadcast %gt3A : f32 to vector<1000x192xf32>
    %gt3A_76 = arith.cmpf ogt, %add3A_74, %gt3A_75 : vector<1000x192xf32>
    %min3A = arith.constant 0.000000e+00 : f32
    %min3A_77 = vector.broadcast %min3A : f32 to vector<1000x192xf32>
    %min3A_78 = arith.minimumf %add3A_74, %min3A_77 : vector<1000x192xf32>
    %exp3A = math.exp %min3A_78 : vector<1000x192xf32>
    %sub3A = arith.constant 1.000000e+00 : f32
    %sub3A_79 = vector.broadcast %sub3A : f32 to vector<1000x192xf32>
    %sub3A_80 = arith.subf %exp3A, %sub3A_79 : vector<1000x192xf32>
    %select_n3A = arith.select %gt3A_76, %add3A_74, %sub3A_80 : vector<1000x192xi1>, vector<1000x192xf32>
    %get3A_81 = arith.constant 0 : index
    %get3A_82 = arith.constant 0 : index
    %get3A_83 = vector.load %arg9[%get3A_81, %get3A_82] : memref<192x8xf32, #tpu.memory_space<vmem>>, vector<192x8xf32>
    %dot_general3A_84 = arith.constant dense<0.000000e+00> : vector<1000x8xf32>
    %dot_general3A_85 = tpu.matmul %select_n3A, %get3A_83, %dot_general3A_84 {dimension_numbers = #tpu.dot_dimension_numbers<[1], [0], [0], [1], [0, 0, 1, 1], [], []>, transpose_lhs_hint = false} : vector<1000x192xf32>, vector<192x8xf32>, vector<1000x8xf32> -> vector<1000x8xf32>
    %get3A_86 = arith.constant 0 : index
    %get3A_87 = arith.constant 0 : index
    %get3A_88 = vector.load %arg10[%get3A_86, %get3A_87] : memref<1x8xf32, #tpu.memory_space<vmem>>, vector<1x8xf32>
    %add3A_89 = vector.broadcast %get3A_88 : vector<1x8xf32> to vector<1000x8xf32>
    %add3A_90 = arith.addf %dot_general3A_85, %add3A_89 : vector<1000x8xf32>
    %swap3A = arith.constant 0 : index
    %swap3A_91 = arith.constant 0 : index
    %swap3A_92 = vector.load %arg11[%swap3A, %swap3A_91] : memref<1000x8xf32, #tpu.memory_space<vmem>>, vector<1000x8xf32>
    tpu.vector_store %arg11[%swap3A, %swap3A_91], %add3A_90 {strides = array<i32>} : memref<1000x8xf32, #tpu.memory_space<vmem>>, vector<1000x8xf32>,
    return
  }
  func.func @transform_0(%arg0: i32) -> (i32, i32, i32) {
    %c0_i32 = arith.constant 0 : i32
    %c0_i32_0 = arith.constant 0 : i32
    %c0_i32_1 = arith.constant 0 : i32
    return %c0_i32, %arg0, %c0_i32_0 : i32, i32, i32
  }
  func.func @transform_1(%arg0: i32) -> (i32, i32, i32) {
    %c0_i32 = arith.constant 0 : i32
    %c0_i32_0 = arith.constant 0 : i32
    %c0_i32_1 = arith.constant 0 : i32
    return %c0_i32, %arg0, %c0_i32_0 : i32, i32, i32
  }
  func.func @transform_2(%arg0: i32) -> (i32, i32, i32) {
    %c0_i32 = arith.constant 0 : i32
    %c0_i32_0 = arith.constant 0 : i32
    %c0_i32_1 = arith.constant 0 : i32
    %c0_i32_2 = arith.constant 0 : i32
    return %c0_i32, %c0_i32_0, %c0_i32_1 : i32, i32, i32
  }
  func.func @transform_3(%arg0: i32) -> (i32, i32) {
    %c0_i32 = arith.constant 0 : i32
    %c0_i32_0 = arith.constant 0 : i32
    %c0_i32_1 = arith.constant 0 : i32
    return %c0_i32, %c0_i32_0 : i32, i32
  }
  func.func @transform_4(%arg0: i32) -> (i32, i32) {
    %c0_i32 = arith.constant 0 : i32
    %c0_i32_0 = arith.constant 0 : i32
    %c0_i32_1 = arith.constant 0 : i32
    return %c0_i32, %c0_i32_0 : i32, i32
  }
  func.func @transform_5(%arg0: i32) -> (i32, i32) {
    %c0_i32 = arith.constant 0 : i32
    %c0_i32_0 = arith.constant 0 : i32
    %c0_i32_1 = arith.constant 0 : i32
    return %c0_i32, %c0_i32_0 : i32, i32
  }
  func.func @transform_6(%arg0: i32) -> (i32, i32) {
    %c0_i32 = arith.constant 0 : i32
    %c0_i32_0 = arith.constant 0 : i32
    %c0_i32_1 = arith.constant 0 : i32
    return %c0_i32, %c0_i32_0 : i32, i32
  }
  func.func @transform_7(%arg0: i32) -> (i32, i32) {
    %c0_i32 = arith.constant 0 : i32
    %c0_i32_0 = arith.constant 0 : i32
    %c0_i32_1 = arith.constant 0 : i32
    return %c0_i32, %c0_i32_0 : i32, i32
  }
  func.func @transform_8(%arg0: i32) -> (i32, i32) {
    %c0_i32 = arith.constant 0 : i32
    %c0_i32_0 = arith.constant 0 : i32
    %c0_i32_1 = arith.constant 0 : i32
    return %c0_i32, %c0_i32_0 : i32, i32
  }
  func.func @transform_9(%arg0: i32) -> (i32, i32) {
    %c0_i32 = arith.constant 0 : i32
    %c0_i32_0 = arith.constant 0 : i32
    %c0_i32_1 = arith.constant 0 : i32
    return %c0_i32, %c0_i32_0 : i32, i32
  }
  func.func @transform_10(%arg0: i32) -> (i32, i32) {
    %c0_i32 = arith.constant 0 : i32
    %c0_i32_0 = arith.constant 0 : i32
    return %arg0, %c0_i32 : i32, i32
  }
}

</mosaic_0001>

<sc_bundles>
// kernel: kernel.6.cloned.1.call-start
scs
__scs_entry_jumppad:
0x0: {  	(pc) =	sbr.rel $0x88, $3  }
0x1: {  	(tag) =	ssettag $0x0;
	lr =	simm.s32 $0x1  }
0x2: {  	[smem:$0x3F8B] =	sst lr;
	_ =	strace $0xD0000000  }
0x3: {  	_ = 	snop  }
0x4: {  	_ = 	snop  }
0x5: {  	_ = 	snop  }
0x6: {  	_ = 	snop  }
0x7: {  	_ = 	snop  }
__scs_overlays_trampoline_lowered:
0x8: {  	[smem:$0x3F9A] =	sst s0  }
0x9: {  	[smem:$0x3F9B] =	sst s1  }
0xa: {  	[smem:$0x3F9C] =	sst s2  }
0xb: {  	[smem:$0x3F9D] =	sst s3  }
0xc: {  	[smem:$0x3F9E] =	sst s4  }
0xd: {  	[smem:$0x3F9F] =	sst s5  }
0xe: {  	[smem:$0x3FA0] =	sst s6  }
0xf: {  	[smem:$0x3FA1] =	sst s7  }
0x10: {  	[smem:$0x3FA2] =	sst s8  }
0x11: {  	[smem:$0x3FA3] =	sst s9;
	s0 =	simm.s32 @!p0 $0x0  }
0x12: {  	s1 =	sld [smem:$0x3F89];
	s0 =	simm.s32 @p0 $0x1  }
0x13: {  	[smem:$0x3FA4] =	sst s0;
	s0 =	simm.s32 @!p1 $0x0  }
0x14: {  	s2 =	sld [smem:$0x3F88];
	s0 =	simm.s32 @p1 $0x1  }
0x15: {  	[smem:$0x3FA5] =	sst s0;
	s0 =	simm.s32 @!p2 $0x0  }
0x16: {  	s3 =	sld [smem:$0x3FDB];
	s0 =	simm.s32 @p2 $0x1  }
0x17: {  	s4 =	simm.s32 $0x1BF5;
	[smem:$0x3FA7] =	sst s0  }
0x18: {  	s0 =	sld [smem:$0x3F8A];
	_ =	swait.ge [sflag:s4], $0x0  }
0x19: {  	s7 =	sld [smem:$0x3F8B]  }
0x1a: {  	s8 =	sadd.s32 $0xFFFFE003, lr  }
0x1b: {  	s9 =	sadd.s32 $0xFFFFFEF7, lr;
	s5 =	simm.s32 $0xFFFFFFFF;
	p2 =	slt.u32 s8, $0xFFFFF086  }
0x1c: {  	p1 =	slt.u32 s9, $0xF7A;
	s5 =	simm.s32 @!p2 $0x0  }
0x1d: {  	s5 =	simm.s32 @p1 $0x1;
	p0 =	seq.s32 s7, s2  }
0x1e: {  	s7 =	smul.u32 @!p0 $0xF7A, s2;
	p2 =	seq.s32 @!p0 s5, $0x0  }
0x1f: {  	s9 =	smul.u32 $0xF7A, s1;
	s8 =	simm.s32 @!p0 $0x1BF5;
	p2 =	por !p2, p0  }
0x20: {  	[sflag:s8] =	ssyncset.s32 @!p0 $0xFFFFF086;
	s6 =	sadd.s32 @!p0 s3, s7;
	s7 =	simm.s32 @!p0 $0x108  }
0x21: {  	s3 =	sadd.s32 s3, s9;
	s6 =	sadd.s32 @!p0 $0x88, s6;
	s7 =	simm.s32 @p2 $0x1082  }
0x22: {  	[simem:s7], [sflag:s8] =	dma.local @!p0 [hbm:s6], $0xF7A  }
0x23: {  	s9 =	sor.u32 $0xD0000000, s2;
	s6 =	simm.s32 $0x108;
	_ =	swait.ge @!p0 [sflag:s8], $0x0  }
0x24: {  	s3 =	sadd.s32 $0x88, s3;
	s6 =	simm.s32 @!p1 $0x1082;
	[sflag:s4] =	ssyncset.s32 $0xFFFFF086  }
0x25: {  	[simem:s6], [sflag:s4] =	dma.local [hbm:s3], $0xF7A  }
0x26: {  	[smem:$0x3F8B] =	sst s1;
	(tag) =	ssettag s2;
	_ =	strace s9  }
0x27: {  	s1 =	sld [smem:$0x3F9B]  }
0x28: {  	s2 =	sld [smem:$0x3F9C]  }
0x29: {  	s4 =	sld [smem:$0x3F9E]  }
0x2a: {  	p0 =	seq.s32 s5, $0x0;
	s5 =	sld [smem:$0x3F9F]  }
0x2b: {  	s6 =	sld [smem:$0x3FA0]  }
0x2c: {  	s7 =	sld [smem:$0x3FA1]  }
0x2d: {  	s3 =	simm.s32 $0x108;
	s8 =	sld [smem:$0x3FA2]  }
0x2e: {  	s3 =	simm.s32 @!p0 $0x1082;
	s9 =	sld [smem:$0x3FA3]  }
0x2f: {  	lr =	sadd.s32 s0, s3;
	s0 =	sld [smem:$0x3F9A]  }
0x30: {  	s3 =	sld [smem:$0x3F9D]  }
0x31: {  	[smem:$0x3FA6] =	sst s10  }
0x32: {  	s10 =	sld [smem:$0x3FA4];
	_ =	sdelay $0x3  }
0x33: {  	p0 =	seq.s32 s10, $0x1;
	s10 =	sld [smem:$0x3FA6];
	_ =	sdelay $0x3  }
0x34: {  	[smem:$0x3FA6] =	sst s10  }
0x35: {  	s10 =	sld [smem:$0x3FA5];
	_ =	sdelay $0x3  }
0x36: {  	p1 =	seq.s32 s10, $0x1;
	s10 =	sld [smem:$0x3FA6];
	_ =	sdelay $0x3  }
0x37: {  	[smem:$0x3FA6] =	sst s10  }
0x38: {  	s10 =	sld [smem:$0x3FA7]  }
0x39: {  	_ = 	snop;
	(pc) =	sbr.ind lr, $3  }
0x3a: {  	_ = 	snop  }
0x3b: {  	_ = 	snop  }
0x3c: {  	p2 =	seq.s32 s10, $0x1;
	s10 =	sld [smem:$0x3FA6]  }
0x3d: {  	_ =	shalt  }
0x3e: {  	_ =	shalt  }
0x3f: {  	_ =	shalt  }
0x40: {  	_ =	shalt  }
0x41: {  	_ =	shalt  }
0x42: {  	_ =	shalt  }
0x43: {  	_ =	shalt  }
0x44: {  	_ =	shalt  }
0x45: {  	_ =	shalt  }
0x46: {  	_ =	shalt  }
0x47: {  	_ =	shalt  }
0x48: {  	_ =	shalt  }
0x49: {  	_ =	shalt  }
0x4a: {  	_ =	shalt  }
0x4b: {  	_ =	shalt  }
0x4c: {  	_ =	shalt  }
0x4d: {  	_ =	shalt  }
0x4e: {  	_ =	shalt  }
0x4f: {  	_ =	shalt  }
0x50: {  	_ =	shalt  }
0x51: {  	_ =	shalt  }
0x52: {  	_ =	shalt  }
0x53: {  	_ =	shalt  }
0x54: {  	_ =	shalt  }
0x55: {  	_ =	shalt  }
0x56: {  	_ =	shalt  }
0x57: {  	_ =	shalt  }
0x58: {  	_ =	shalt  }
0x59: {  	_ =	shalt  }
0x5a: {  	_ =	shalt  }
0x5b: {  	_ =	shalt  }
0x5c: {  	_ =	shalt  }
0x5d: {  	_ =	shalt  }
0x5e: {  	_ =	shalt  }
0x5f: {  	_ =	shalt  }
0x60: {  	_ =	shalt  }
0x61: {  	_ =	shalt  }
0x62: {  	_ =	shalt  }
0x63: {  	_ =	shalt  }
0x64: {  	_ =	shalt  }
0x65: {  	_ =	shalt  }
0x66: {  	_ =	shalt  }
0x67: {  	_ =	shalt  }
0x68: {  	_ =	shalt  }
0x69: {  	_ =	shalt  }
0x6a: {  	_ =	shalt  }
0x6b: {  	_ =	shalt  }
0x6c: {  	_ =	shalt  }
0x6d: {  	_ =	shalt  }
0x6e: {  	_ =	shalt  }
0x6f: {  	_ =	shalt  }
0x70: {  	_ =	shalt  }
0x71: {  	_ =	shalt  }
0x72: {  	_ =	shalt  }
0x73: {  	_ =	shalt  }
0x74: {  	_ =	shalt  }
0x75: {  	_ =	shalt  }
0x76: {  	_ =	shalt  }
0x77: {  	_ =	shalt  }
0x78: {  	_ =	shalt  }
0x79: {  	_ =	shalt  }
0x7a: {  	_ =	shalt  }
0x7b: {  	_ =	shalt  }
0x7c: {  	_ =	shalt  }
0x7d: {  	_ =	shalt  }
0x7e: {  	_ =	shalt  }
0x7f: {  	_ =	shalt  }
0x80: {  	_ =	shalt  }
0x81: {  	_ =	shalt  }
0x82: {  	_ =	shalt  }
0x83: {  	_ =	shalt  }
0x84: {  	_ =	shalt  }
0x85: {  	_ =	shalt  }
0x86: {  	_ =	shalt  }
0x87: {  	_ =	shalt  }
.Lfunc_end0:
.L_simem_size_0:
called_computation_lowered:
.L_overlay_start_0:
0x88: {  	s2 =	sld [smem:$0x3FD9]  }
0x89: {  	s3 =	sld [smem:$0x3FFE];
	_ =	sdelay $0x1  }
0x8a: {  	s1 =	srdreg.scid  }
0x8b: {  	s0 =	sand.u32 $0x1, s1  }
0x8c: {  	s16 =	sshll.u32 s0, $0xA;
	s2 =	sadd.s32 s3, s2  }
0x8d: {  	s2 =	sadd.s32 s2, s16  }
0x8e: {  	[smem:$0x3FB2] =	sst s2  }
0x8f: {  	_ = 	snop  }
0x90: {  	(tm) =	ssettm $0x1  }
0x91: {  	s17 =	sld [smem:$0x3FFB];
	_ =	sdelay $0x3  }
0x92: {  	_ =	strace s17  }
0x93: {  	s2 =	sld [smem:$0x3FFC];
	_ =	sdelay $0x3  }
0x94: {  	_ =	strace s2  }
0x95: {  	s2 =	sld [smem:$0x3FFD];
	_ =	sdelay $0x3  }
0x96: {  	_ =	strace s2  }
0x97: {  	_ =	strace $0x8FFFFFFF  }
0x98: {  	s18 =	sld [smem:$0x3FDB];
	_ =	sdelay $0x1  }
0x99: {  	s19 =	simm.s32 $_scs_section_size  }
0x9a: {  	s4 =	simm.s32 $_size__tile_overlayer_lowered;
	s5 =	simm.s32 $_tile_overlayer_lowered  }
0x9b: {  	s22 =	simm.s32 $0x1BFF;
	s21 =	sshll.u32 s5, $0x1;
	s2 =	sadd.s32 s19, s18  }
0x9c: {  	s6 =	simm.s32 $0x0;
	s20 =	sshll.u32 s4, $0x1;
	s4 =	sadd.s32 s21, s2  }
0x9d: {  	[timem:s6], [sflag:s22] =	dma.local [hbm:s4], s20  }
0x9e: {  	_ =	swait.ge [sflag:s22], s20  }
0x9f: {  	s3 =	ssub.s32 $0x0, s20;
	[sflag:s22] =	ssyncset.done $0x0  }
0xa0: {  	[sflag:s22] =	ssyncadd.s32 s3;
	_ =	sdelay $0x1  }
0xa1: {  	s23 =	simm.s32 $0x1B8B  }
0xa2: {  	_ =	swait.ge [sflag:s23], $0x1  }
0xa3: {  	[sflag:s23] =	ssyncset.done $0x0  }
0xa4: {  	s25 =	simm.s32 $0x1B8E;
	s24 =	sld [smem:$0x3FFE];
	[sflag:s23] =	ssyncadd.s32 $0xFFFFFFFF  }
0xa5: {  	s26 =	simm.s32 $execute0_lowered;
	[smem:$0x3FD2] =	sst s25  }
0xa6: {  	s4 =	sshll.u32 s26, $0x1;
	_ =	strace $0x80000046;
	[dreg:$0x1] =	wrdreg $0xFFFFFFFF  }
0xa7: {  	s28 =	simm.s32 $_size_execute0_lowered;
	s2 =	sadd.s32 s2, s4;
	[dreg:$0x0] =	wrdreg $0x0  }
0xa8: {  	s4 =	sshll.u32 s28, $0x1;
	[dreg:$0x2] =	wrdreg s2  }
0xa9: {  	[dreg:$0x3] =	wrdreg s4  }
0xaa: {  	[dreg:$0x4] =	wrdreg $0xC0  }
0xab: {  	_ =	task [dreg:s6], $0x5FFFF  }
0xac: {  	[dreg:$0x1] =	wrdreg $0xFFFFFFFF  }
0xad: {  	[dreg:$0x0] =	wrdreg $0x60  }
0xae: {  	[dreg:$0x2] =	wrdreg s24  }
0xaf: {  	[dreg:$0x3] =	wrdreg $0x68000  }
0xb0: {  	[dreg:$0x4] =	wrdreg $0x9  }
0xb1: {  	_ =	task.clear_ibuf [dreg:s6], $0x5FFFF;
	_ =	strace $0x90000046  }
0xb2: {  	s29 =	simm.s32 $0x9;
	_ =	strace $0x80000048  }
0xb3: {  	_ =	swait.ge [sflag:s29], $0x1  }
0xb4: {  	[sflag:s29] =	ssyncadd.s32 $0xFFFFFFFF  }
0xb5: {  	_ =	strace $0x90000048  }
0xb6: {  	_ =	sfence  }
0xb7: {  	s30 =	sld [smem:$0x0];
	_ =	sdelay $0x2  }
0xb8: {  	s31 =	sshll.u32 s1, $0xD;
	s1 =	sshrl.u32 s1, $0x2  }
0xb9: {  	s3 =	sand.u32 $0x4000, s31;
	s1 =	sadd.s32 s1, s30  }
0xba: {  	s0 =	sor.u32 s3, s0;
	s1 =	sshll.u32 s1, $0x11  }
0xbb: {  	s0 =	sor.u32 s1, s0  }
0xbc: {  	s0 =	sadd.s32 $0x8F2B, s0  }
0xbd: {  	[sflag:s0] =	ssyncadd.remote.s32 $0x1  }
0xbe: {  	_ =	sfence.sel $0xFFFF  }
0xbf: {  	[dreg:$0x0] =	wrdreg $0xFFFFFFFF;
	(pc) =	sbr.abs _section_cstart, $3  }
0xc0: {  	[dreg:$0x1] =	wrdreg $0xFFFFFFFF  }
0xc1: {  	_ =	task.clear_ibuf [dreg:s6], $0x2FFFF;
	_ =	strace $0x9FFFFFFF  }
0xc2: {  	(tm) =	ssettm $0x7FFFFFFF  }
0xc3: {  	_ =	shalt  }
tec
execute0_lowered:
.L_overlay_start_1:
0x0: {  	(tag) =	ssettag $0x1  }
0x1: {  	s5 =	rddreg [dreg:$0x0]  }
0x2: {  	s0 =	srdreg.scid;
	s2 =	rddreg [dreg:$0x1]  }
0x3: {  	s1 =	rddreg [dreg:$0x2];
	s3 =	simm.s32 $0x0;
	s6 =	sand.u32 $0x1, s0  }
0x4: {  	s14 =	simm.s32 $0x80;
	s0 =	stileid.u32;
	s4 =	smul.u32 $0x14000, s6  }
0x5: {  	s15 =	simm.s32 $0x2800;
	s16 =	simm.s32 $0x1;
	s7 =	smul.u32 $0x1400, s0  }
0x6: {  	s17 =	simm.s32 $0x0;
	[smem:$0x7FF] =	sst s3;
	s28 =	smul.u32 $0x14000, s0  }
0x7: {  	_ =	strace $0x80000047;
	s9 =	smul.u32 $0x140000, s6;
	s6 =	ssub.s32 $0x2, s6  }
0x8: {  	s29 =	smul.u32 $0x50000, s0;
	s31 =	sshll.u32 s0, $0x6;
	s11 =	sshrl.u32 s6, $0x1  }
0x9: {  	s4 =	sadd.s32 s7, s4;
	s10 =	sshrl.u32 s28, $0x3;
	s7 =	sadd.s32 s28, s9  }
0xa: {  	s11 =	ssub.s32 s6, s11;
	s30 =	sshrl.u32 s29, $0x2;
	s6 =	sor.u32 $0x1C02, s31  }
0xb: {  	s8 =	sshrl.u32 s4, $0x3;
	s4 =	sadd.s32 $0x3600, s5;
	s10 =	sadd.s32 s10, s5  }
0xc: {  	s7 =	sshrl.u32 s7, $0x3;
	s13 =	sadd.s32 s30, s2;
	s8 =	sadd.s32 s8, s5  }
0xd: {  	s12 =	sadd.s32 s7, s5;
	s5 =	sadd.s32 $0x34800, s10;
	s10 =	smax.u32 s11, $0x1  }
0xe: {  	s11 =	sshrl.u32 s13, $0x3;
	s13 =	simm.s32 $0x1400;
	s7 =	sadd.s32 $0x2A800, s8  }
0xf: {  	s8 =	sadd.s32 $0x2F800, s8;
	s9 =	sadd.s32 $0x5C800, s12;
	s12 =	simm.s32 $0x2  }
.LBB2_1:
0x10: {  	[spmem:s11], [sflag:s6] =	dma.local [hbm:s5], $0x2800  }
0x11: {  	_ =	swait.ge [sflag:s12], $0x2800  }
0x12: {  	[sflag:s12] =	ssyncset.done $0x0  }
0x13: {  	[sflag:s12] =	ssyncadd.s32 $0xFFFFD800  }
0x14: {  	[tilespmem:s3], [sflag:$0x2] =	stream.linear.gather [hbm4b:s7+s3], $0x1400, $0x38;
	[tilespmem:$0x1A800] =	vst v63  }
0x15: {  	_ =	swait.ge [sflag:s12], $0x1400  }
0x16: {  	[sflag:s12] =	ssyncset.done $0x0  }
0x17: {  	[sflag:s12] =	ssyncadd.s32 $0xFFFFEC00  }
0x18: {  	[tilespmem:s13], [sflag:$0x2] =	stream.linear.gather [hbm4b:s8+s3], $0x1400, $0x38;
	[tilespmem:$0x1A800] =	vst v63  }
0x19: {  	_ =	swait.ge [sflag:s12], $0x1400  }
0x1a: {  	[sflag:s12] =	ssyncset.done $0x0  }
0x1b: {  	[sflag:s12] =	ssyncadd.s32 $0xFFFFEC00  }
0x1c: {  	s18 =	simm.s32 $0x0;
	[bflag:$0x0] =	sbarrier.arrive $0xFFFF  }
0x1d: {  	[tilespmem:s15], [sflag:$0x1] =	stream.indirect.gather [hbm4b:s4+s14], $0x80, s18, s14, $0xb8;
	[tilespmem:$0x1A800] =	vst v63  }
0x1e: {  	_ =	swait.ge [sflag:s16], $0x4000  }
0x1f: {  	[sflag:s16] =	ssyncset.done $0x0  }
0x20: {  	s31 =	simm.s32 $0x1400;
	[sflag:s16] =	ssyncadd.s32 $0xFFFFC000  }
0x21: {  	[spmem:s2] =	stream.indirect.scatter.add.f32 [tilespmem:s15], [sflag:$0x2], $0x80, s31, s14, $0xb8;
	[tilespmem:$0x1A800] =	vst v63  }
0x22: {  	_ =	swait.ge [sflag:s12], $0x4000  }
0x23: {  	s19 =	simm.s32 $0x400;
	s18 =	simm.s32 $0x200;
	[sflag:s12] =	ssyncset.done $0x0  }
.LBB2_2:
0x24: {  	s20 =	sshra.s32 s18, $0x2  }
0x25: {  	[sflag:s12] =	ssyncadd.s32 $0xFFFFC000;
	s18 =	smov.u32 s19;
	s21 =	sadd.s32 $0x200, s19  }
0x26: {  	[tilespmem:s15], [sflag:$0x1] =	stream.indirect.gather [hbm4b:s4+s14], $0x80, s20, s14, $0xb8;
	[tilespmem:$0x1A800] =	vst v63  }
0x27: {  	p0 =	sne.s32 s19, $0x4E00;
	_ =	swait.ge [sflag:s16], $0x4000  }
.Ltmp0:
0x28: {  	[sflag:s16] =	ssyncset.done $0x0;
	(pc) =	sbr.rel @p0 .LBB2_2-.Ltmp0, $4  }
0x29: {  	s19 =	sadd.s32 $0x1400, s20;
	[sflag:s16] =	ssyncadd.s32 $0xFFFFC000  }
0x2a: {  	[spmem:s2] =	stream.indirect.scatter.add.f32 [tilespmem:s15], [sflag:$0x2], $0x80, s19, s14, $0xb8;
	[tilespmem:$0x1A800] =	vst v63  }
0x2b: {  	_ =	swait.ge [sflag:s12], $0x4000  }
0x2c: {  	s19 =	smov.u32 s21;
	[sflag:s12] =	ssyncset.done $0x0  }
0x2d: {  	s18 =	sshra.s32 s18, $0x2;
	[sflag:s12] =	ssyncadd.s32 $0xFFFFC000  }
0x2e: {  	[tilespmem:s15], [sflag:$0x1] =	stream.indirect.gather [hbm4b:s4+s14], $0x80, s18, s14, $0xb8;
	[tilespmem:$0x1A800] =	vst v63  }
0x2f: {  	_ =	swait.ge [sflag:s16], $0x4000  }
0x30: {  	[sflag:s16] =	ssyncset.done $0x0  }
0x31: {  	s18 =	sadd.s32 $0x1400, s18;
	[sflag:s16] =	ssyncadd.s32 $0xFFFFC000  }
0x32: {  	[spmem:s2] =	stream.indirect.scatter.add.f32 [tilespmem:s15], [sflag:$0x2], $0x80, s18, s14, $0xb8;
	[tilespmem:$0x1A800] =	vst v63  }
0x33: {  	_ =	swait.ge [sflag:s12], $0x4000  }
0x34: {  	s17 =	sadd.s32 $0x1, s17;
	[sflag:s12] =	ssyncset.done $0x0  }
0x35: {  	p0 =	sne.s32 s17, s10;
	[sflag:s12] =	ssyncadd.s32 $0xFFFFC000  }
.Ltmp1:
0x36: {  	[bflag:$0x0] =	sbarrier.arrive $0xFFFF;
	(pc) =	sbr.rel @p0 .LBB2_1-.Ltmp1, $4  }
0x37: {  	[hbm:s9], [sflag:s6] =	dma.local [spmem:s11], $0x2800  }
0x38: {  	_ =	swait.ge [sflag:s12], $0x2800  }
0x39: {  	[sflag:s12] =	ssyncset.done $0x0  }
0x3a: {  	[sflag:s12] =	ssyncadd.s32 $0xFFFFD800  }
0x3b: {  	_ =	sfence.sel $0x180000  }
0x3c: {  	[bflag:$0x0] =	sbarrier.arrive $0xFFFF  }
0x3d: {  	p0 =	sne.s32 s0, $0x0;
	_ =	strace $0x90000047  }
0x3e: {  	s0 =	sadd.s32 @!p0 $0x100000, s1;
	[bflag:$0x2] =	sbarrier.arrive $0xFFFF  }
0x3f: {  	[sflag:s0] =	ssyncadd.tile.s32 @!p0 $0x1;
	_ =	shalt  }
.Lfunc_end2:
_tile_overlayer_lowered:
.L_overlay_start_2:
0x40: {  	(tag) =	ssettag $0x2  }
0x41: {  	s0 =	rddreg [dreg:$0x0];
	s2 =	stileid.u32  }
0x42: {  	s1 =	rddreg [dreg:$0x1];
	p0 =	sne.s32 s2, $0x0  }
0x43: {  	s3 =	rddreg [dreg:$0x2];
	[bflag:$0x3] =	sbarrier.arrive $0xFFFF;
	s2 =	simm.s32 @!p0 $0x1C02  }
0x44: {  	[timem:s3], [sflag:s2] =	dma.local @!p0 [hbm:s0], s1  }
0x45: {  	s0 =	simm.s32 @!p0 $0x2  }
0x46: {  	_ =	swait.ge @!p0 [sflag:s0], s1  }
0x47: {  	s1 =	ssub.s32 @!p0 $0x0, s1;
	[sflag:s0] =	ssyncset.done @!p0 $0x0  }
0x48: {  	[sflag:s0] =	ssyncadd.s32 @!p0 s1  }
0x49: {  	[bflag:$0x3] =	sbarrier.arrive $0xFFFF  }
0x4a: {  	_ =	shalt  }

// kernel: kernel.9.cloned.1.call-start
scs
__scs_entry_jumppad:
0x0: {  	(pc) =	sbr.rel $0x88, $3  }
0x1: {  	(tag) =	ssettag $0x0;
	lr =	simm.s32 $0x1  }
0x2: {  	[smem:$0x3F8B] =	sst lr;
	_ =	strace $0xD0000000  }
0x3: {  	_ = 	snop  }
0x4: {  	_ = 	snop  }
0x5: {  	_ = 	snop  }
0x6: {  	_ = 	snop  }
0x7: {  	_ = 	snop  }
__scs_overlays_trampoline_lowered:
0x8: {  	[smem:$0x3F9A] =	sst s0  }
0x9: {  	[smem:$0x3F9B] =	sst s1  }
0xa: {  	[smem:$0x3F9C] =	sst s2  }
0xb: {  	[smem:$0x3F9D] =	sst s3  }
0xc: {  	[smem:$0x3F9E] =	sst s4  }
0xd: {  	[smem:$0x3F9F] =	sst s5  }
0xe: {  	[smem:$0x3FA0] =	sst s6  }
0xf: {  	[smem:$0x3FA1] =	sst s7  }
0x10: {  	[smem:$0x3FA2] =	sst s8  }
0x11: {  	[smem:$0x3FA3] =	sst s9;
	s0 =	simm.s32 @!p0 $0x0  }
0x12: {  	s1 =	sld [smem:$0x3F89];
	s0 =	simm.s32 @p0 $0x1  }
0x13: {  	[smem:$0x3FA4] =	sst s0;
	s0 =	simm.s32 @!p1 $0x0  }
0x14: {  	s2 =	sld [smem:$0x3F88];
	s0 =	simm.s32 @p1 $0x1  }
0x15: {  	[smem:$0x3FA5] =	sst s0;
	s0 =	simm.s32 @!p2 $0x0  }
0x16: {  	s3 =	sld [smem:$0x3FDB];
	s0 =	simm.s32 @p2 $0x1  }
0x17: {  	s4 =	simm.s32 $0x1BF5;
	[smem:$0x3FA7] =	sst s0  }
0x18: {  	s0 =	sld [smem:$0x3F8A];
	_ =	swait.ge [sflag:s4], $0x0  }
0x19: {  	s7 =	sld [smem:$0x3F8B]  }
0x1a: {  	s8 =	sadd.s32 $0xFFFFE003, lr  }
0x1b: {  	s9 =	sadd.s32 $0xFFFFFEF7, lr;
	s5 =	simm.s32 $0xFFFFFFFF;
	p2 =	slt.u32 s8, $0xFFFFF086  }
0x1c: {  	p1 =	slt.u32 s9, $0xF7A;
	s5 =	simm.s32 @!p2 $0x0  }
0x1d: {  	s5 =	simm.s32 @p1 $0x1;
	p0 =	seq.s32 s7, s2  }
0x1e: {  	s7 =	smul.u32 @!p0 $0xF7A, s2;
	p2 =	seq.s32 @!p0 s5, $0x0  }
0x1f: {  	s9 =	smul.u32 $0xF7A, s1;
	s8 =	simm.s32 @!p0 $0x1BF5;
	p2 =	por !p2, p0  }
0x20: {  	[sflag:s8] =	ssyncset.s32 @!p0 $0xFFFFF086;
	s6 =	sadd.s32 @!p0 s3, s7;
	s7 =	simm.s32 @!p0 $0x108  }
0x21: {  	s3 =	sadd.s32 s3, s9;
	s6 =	sadd.s32 @!p0 $0x88, s6;
	s7 =	simm.s32 @p2 $0x1082  }
0x22: {  	[simem:s7], [sflag:s8] =	dma.local @!p0 [hbm:s6], $0xF7A  }
0x23: {  	s9 =	sor.u32 $0xD0000000, s2;
	s6 =	simm.s32 $0x108;
	_ =	swait.ge @!p0 [sflag:s8], $0x0  }
0x24: {  	s3 =	sadd.s32 $0x88, s3;
	s6 =	simm.s32 @!p1 $0x1082;
	[sflag:s4] =	ssyncset.s32 $0xFFFFF086  }
0x25: {  	[simem:s6], [sflag:s4] =	dma.local [hbm:s3], $0xF7A  }
0x26: {  	[smem:$0x3F8B] =	sst s1;
	(tag) =	ssettag s2;
	_ =	strace s9  }
0x27: {  	s1 =	sld [smem:$0x3F9B]  }
0x28: {  	s2 =	sld [smem:$0x3F9C]  }
0x29: {  	s4 =	sld [smem:$0x3F9E]  }
0x2a: {  	p0 =	seq.s32 s5, $0x0;
	s5 =	sld [smem:$0x3F9F]  }
0x2b: {  	s6 =	sld [smem:$0x3FA0]  }
0x2c: {  	s7 =	sld [smem:$0x3FA1]  }
0x2d: {  	s3 =	simm.s32 $0x108;
	s8 =	sld [smem:$0x3FA2]  }
0x2e: {  	s3 =	simm.s32 @!p0 $0x1082;
	s9 =	sld [smem:$0x3FA3]  }
0x2f: {  	lr =	sadd.s32 s0, s3;
	s0 =	sld [smem:$0x3F9A]  }
0x30: {  	s3 =	sld [smem:$0x3F9D]  }
0x31: {  	[smem:$0x3FA6] =	sst s10  }
0x32: {  	s10 =	sld [smem:$0x3FA4];
	_ =	sdelay $0x3  }
0x33: {  	p0 =	seq.s32 s10, $0x1;
	s10 =	sld [smem:$0x3FA6];
	_ =	sdelay $0x3  }
0x34: {  	[smem:$0x3FA6] =	sst s10  }
0x35: {  	s10 =	sld [smem:$0x3FA5];
	_ =	sdelay $0x3  }
0x36: {  	p1 =	seq.s32 s10, $0x1;
	s10 =	sld [smem:$0x3FA6];
	_ =	sdelay $0x3  }
0x37: {  	[smem:$0x3FA6] =	sst s10  }
0x38: {  	s10 =	sld [smem:$0x3FA7]  }
0x39: {  	_ = 	snop;
	(pc) =	sbr.ind lr, $3  }
0x3a: {  	_ = 	snop  }
0x3b: {  	_ = 	snop  }
0x3c: {  	p2 =	seq.s32 s10, $0x1;
	s10 =	sld [smem:$0x3FA6]  }
0x3d: {  	_ =	shalt  }
0x3e: {  	_ =	shalt  }
0x3f: {  	_ =	shalt  }
0x40: {  	_ =	shalt  }
0x41: {  	_ =	shalt  }
0x42: {  	_ =	shalt  }
0x43: {  	_ =	shalt  }
0x44: {  	_ =	shalt  }
0x45: {  	_ =	shalt  }
0x46: {  	_ =	shalt  }
0x47: {  	_ =	shalt  }
0x48: {  	_ =	shalt  }
0x49: {  	_ =	shalt  }
0x4a: {  	_ =	shalt  }
0x4b: {  	_ =	shalt  }
0x4c: {  	_ =	shalt  }
0x4d: {  	_ =	shalt  }
0x4e: {  	_ =	shalt  }
0x4f: {  	_ =	shalt  }
0x50: {  	_ =	shalt  }
0x51: {  	_ =	shalt  }
0x52: {  	_ =	shalt  }
0x53: {  	_ =	shalt  }
0x54: {  	_ =	shalt  }
0x55: {  	_ =	shalt  }
0x56: {  	_ =	shalt  }
0x57: {  	_ =	shalt  }
0x58: {  	_ =	shalt  }
0x59: {  	_ =	shalt  }
0x5a: {  	_ =	shalt  }
0x5b: {  	_ =	shalt  }
0x5c: {  	_ =	shalt  }
0x5d: {  	_ =	shalt  }
0x5e: {  	_ =	shalt  }
0x5f: {  	_ =	shalt  }
0x60: {  	_ =	shalt  }
0x61: {  	_ =	shalt  }
0x62: {  	_ =	shalt  }
0x63: {  	_ =	shalt  }
0x64: {  	_ =	shalt  }
0x65: {  	_ =	shalt  }
0x66: {  	_ =	shalt  }
0x67: {  	_ =	shalt  }
0x68: {  	_ =	shalt  }
0x69: {  	_ =	shalt  }
0x6a: {  	_ =	shalt  }
0x6b: {  	_ =	shalt  }
0x6c: {  	_ =	shalt  }
0x6d: {  	_ =	shalt  }
0x6e: {  	_ =	shalt  }
0x6f: {  	_ =	shalt  }
0x70: {  	_ =	shalt  }
0x71: {  	_ =	shalt  }
0x72: {  	_ =	shalt  }
0x73: {  	_ =	shalt  }
0x74: {  	_ =	shalt  }
0x75: {  	_ =	shalt  }
0x76: {  	_ =	shalt  }
0x77: {  	_ =	shalt  }
0x78: {  	_ =	shalt  }
0x79: {  	_ =	shalt  }
0x7a: {  	_ =	shalt  }
0x7b: {  	_ =	shalt  }
0x7c: {  	_ =	shalt  }
0x7d: {  	_ =	shalt  }
0x7e: {  	_ =	shalt  }
0x7f: {  	_ =	shalt  }
0x80: {  	_ =	shalt  }
0x81: {  	_ =	shalt  }
0x82: {  	_ =	shalt  }
0x83: {  	_ =	shalt  }
0x84: {  	_ =	shalt  }
0x85: {  	_ =	shalt  }
0x86: {  	_ =	shalt  }
0x87: {  	_ =	shalt  }
.Lfunc_end0:
.L_simem_size_0:
called_computation.1_lowered:
.L_overlay_start_0:
0x88: {  	s2 =	sld [smem:$0x3FD9]  }
0x89: {  	s3 =	sld [smem:$0x3FFE];
	_ =	sdelay $0x1  }
0x8a: {  	s1 =	srdreg.scid  }
0x8b: {  	s0 =	sand.u32 $0x1, s1  }
0x8c: {  	s16 =	sshll.u32 s0, $0xA;
	s2 =	sadd.s32 s3, s2  }
0x8d: {  	s2 =	sadd.s32 s2, s16  }
0x8e: {  	[smem:$0x3FB2] =	sst s2  }
0x8f: {  	_ = 	snop  }
0x90: {  	(tm) =	ssettm $0x1  }
0x91: {  	s17 =	sld [smem:$0x3FFB];
	_ =	sdelay $0x3  }
0x92: {  	_ =	strace s17  }
0x93: {  	s2 =	sld [smem:$0x3FFC];
	_ =	sdelay $0x3  }
0x94: {  	_ =	strace s2  }
0x95: {  	s2 =	sld [smem:$0x3FFD];
	_ =	sdelay $0x3  }
0x96: {  	_ =	strace s2  }
0x97: {  	_ =	strace $0x8FFFFFFF  }
0x98: {  	s18 =	sld [smem:$0x3FDB];
	_ =	sdelay $0x1  }
0x99: {  	s19 =	simm.s32 $_scs_section_size  }
0x9a: {  	s4 =	simm.s32 $_size__tile_overlayer_lowered;
	s5 =	simm.s32 $_tile_overlayer_lowered  }
0x9b: {  	s22 =	simm.s32 $0x1BFF;
	s21 =	sshll.u32 s5, $0x1;
	s2 =	sadd.s32 s19, s18  }
0x9c: {  	s6 =	simm.s32 $0x0;
	s20 =	sshll.u32 s4, $0x1;
	s4 =	sadd.s32 s21, s2  }
0x9d: {  	[timem:s6], [sflag:s22] =	dma.local [hbm:s4], s20  }
0x9e: {  	_ =	swait.ge [sflag:s22], s20  }
0x9f: {  	s3 =	ssub.s32 $0x0, s20;
	[sflag:s22] =	ssyncset.done $0x0  }
0xa0: {  	[sflag:s22] =	ssyncadd.s32 s3;
	_ =	sdelay $0x1  }
0xa1: {  	s23 =	simm.s32 $0x1B8B  }
0xa2: {  	_ =	swait.ge [sflag:s23], $0x1  }
0xa3: {  	[sflag:s23] =	ssyncset.done $0x0  }
0xa4: {  	s25 =	simm.s32 $0x1B8E;
	s24 =	sld [smem:$0x3FFE];
	[sflag:s23] =	ssyncadd.s32 $0xFFFFFFFF  }
0xa5: {  	s26 =	simm.s32 $execute0_lowered;
	[smem:$0x3FD2] =	sst s25  }
0xa6: {  	s4 =	sshll.u32 s26, $0x1;
	_ =	strace $0x80000049;
	[dreg:$0x1] =	wrdreg $0xFFFFFFFF  }
0xa7: {  	s28 =	simm.s32 $_size_execute0_lowered;
	s2 =	sadd.s32 s2, s4;
	[dreg:$0x0] =	wrdreg $0x0  }
0xa8: {  	s4 =	sshll.u32 s28, $0x1;
	[dreg:$0x2] =	wrdreg s2  }
0xa9: {  	[dreg:$0x3] =	wrdreg s4  }
0xaa: {  	[dreg:$0x4] =	wrdreg $0xC0  }
0xab: {  	_ =	task [dreg:s6], $0x5FFFF  }
0xac: {  	[dreg:$0x1] =	wrdreg $0xFFFFFFFF  }
0xad: {  	[dreg:$0x0] =	wrdreg $0x60  }
0xae: {  	[dreg:$0x2] =	wrdreg s24  }
0xaf: {  	[dreg:$0x3] =	wrdreg $0x90000  }
0xb0: {  	[dreg:$0x4] =	wrdreg $0x9  }
0xb1: {  	_ =	task.clear_ibuf [dreg:s6], $0x5FFFF;
	_ =	strace $0x90000049  }
0xb2: {  	s29 =	simm.s32 $0x9;
	_ =	strace $0x8000004B  }
0xb3: {  	_ =	swait.ge [sflag:s29], $0x1  }
0xb4: {  	[sflag:s29] =	ssyncadd.s32 $0xFFFFFFFF  }
0xb5: {  	_ =	strace $0x9000004B  }
0xb6: {  	_ =	sfence  }
0xb7: {  	s30 =	sld [smem:$0x0];
	_ =	sdelay $0x2  }
0xb8: {  	s31 =	sshll.u32 s1, $0xD;
	s1 =	sshrl.u32 s1, $0x2  }
0xb9: {  	s3 =	sand.u32 $0x4000, s31;
	s1 =	sadd.s32 s1, s30  }
0xba: {  	s0 =	sor.u32 s3, s0;
	s1 =	sshll.u32 s1, $0x11  }
0xbb: {  	s0 =	sor.u32 s1, s0  }
0xbc: {  	s0 =	sadd.s32 $0x8F2B, s0  }
0xbd: {  	[sflag:s0] =	ssyncadd.remote.s32 $0x1  }
0xbe: {  	_ =	sfence.sel $0xFFFF  }
0xbf: {  	[dreg:$0x0] =	wrdreg $0xFFFFFFFF;
	(pc) =	sbr.abs _section_cstart, $3  }
0xc0: {  	[dreg:$0x1] =	wrdreg $0xFFFFFFFF  }
0xc1: {  	_ =	task.clear_ibuf [dreg:s6], $0x2FFFF;
	_ =	strace $0x9FFFFFFF  }
0xc2: {  	(tm) =	ssettm $0x7FFFFFFF  }
0xc3: {  	_ =	shalt  }
tec
execute0_lowered:
.L_overlay_start_1:
0x0: {  	(tag) =	ssettag $0x1  }
0x1: {  	s5 =	rddreg [dreg:$0x0]  }
0x2: {  	s0 =	srdreg.scid;
	s2 =	rddreg [dreg:$0x1]  }
0x3: {  	s1 =	rddreg [dreg:$0x2];
	s3 =	simm.s32 $0x0;
	s6 =	sand.u32 $0x1, s0  }
0x4: {  	s14 =	simm.s32 $0x80;
	s0 =	stileid.u32;
	s4 =	smul.u32 $0x28000, s6  }
0x5: {  	s15 =	simm.s32 $0x5000;
	s16 =	simm.s32 $0x1;
	s7 =	smul.u32 $0x2800, s0  }
0x6: {  	s17 =	simm.s32 $0x0;
	[smem:$0x7FF] =	sst s3;
	s28 =	smul.u32 $0x14000, s0  }
0x7: {  	_ =	strace $0x8000004A;
	s9 =	smul.u32 $0x140000, s6;
	s6 =	ssub.s32 $0x2, s6  }
0x8: {  	s29 =	smul.u32 $0x50000, s0;
	s31 =	sshll.u32 s0, $0x6;
	s11 =	sshrl.u32 s6, $0x1  }
0x9: {  	s4 =	sadd.s32 s7, s4;
	s10 =	sshrl.u32 s28, $0x3;
	s7 =	sadd.s32 s28, s9  }
0xa: {  	s11 =	ssub.s32 s6, s11;
	s30 =	sshrl.u32 s29, $0x2;
	s6 =	sor.u32 $0x1C02, s31  }
0xb: {  	s8 =	sshrl.u32 s4, $0x3;
	s4 =	sadd.s32 $0x5C800, s5;
	s10 =	sadd.s32 s10, s5  }
0xc: {  	s7 =	sshrl.u32 s7, $0x3;
	s13 =	sadd.s32 s30, s2;
	s8 =	sadd.s32 s8, s5  }
0xd: {  	s12 =	sadd.s32 s7, s5;
	s5 =	sadd.s32 $0x34800, s10;
	s10 =	smax.u32 s11, $0x1  }
0xe: {  	s11 =	sshrl.u32 s13, $0x3;
	s13 =	simm.s32 $0x2800;
	s7 =	sadd.s32 $0xAC800, s8  }
0xf: {  	s8 =	sadd.s32 $0xB6800, s8;
	s9 =	sadd.s32 $0xC0800, s12;
	s12 =	simm.s32 $0x2  }
.LBB2_1:
0x10: {  	[spmem:s11], [sflag:s6] =	dma.local [hbm:s5], $0x2800  }
0x11: {  	_ =	swait.ge [sflag:s12], $0x2800  }
0x12: {  	[sflag:s12] =	ssyncset.done $0x0  }
0x13: {  	[sflag:s12] =	ssyncadd.s32 $0xFFFFD800  }
0x14: {  	[tilespmem:s3], [sflag:$0x2] =	stream.linear.gather [hbm4b:s7+s3], $0x2780, $0x38;
	[tilespmem:$0x1D000] =	vst v63  }
0x15: {  	_ =	swait.ge [sflag:s12], $0x2780  }
0x16: {  	[sflag:s12] =	ssyncset.done $0x0  }
0x17: {  	[sflag:s12] =	ssyncadd.s32 $0xFFFFD880  }
0x18: {  	[tilespmem:s13], [sflag:$0x2] =	stream.linear.gather [hbm4b:s8+s3], $0x2780, $0x38;
	[tilespmem:$0x1D000] =	vst v63  }
0x19: {  	_ =	swait.ge [sflag:s12], $0x2780  }
0x1a: {  	[sflag:s12] =	ssyncset.done $0x0  }
0x1b: {  	[sflag:s12] =	ssyncadd.s32 $0xFFFFD880  }
0x1c: {  	s18 =	simm.s32 $0x0;
	[bflag:$0x0] =	sbarrier.arrive $0xFFFF  }
0x1d: {  	[tilespmem:s15], [sflag:$0x1] =	stream.indirect.gather [hbm4b:s4+s14], $0x80, s18, s14, $0xb8;
	[tilespmem:$0x1D000] =	vst v63  }
0x1e: {  	_ =	swait.ge [sflag:s16], $0x4000  }
0x1f: {  	[sflag:s16] =	ssyncset.done $0x0  }
0x20: {  	s31 =	simm.s32 $0x2800;
	[sflag:s16] =	ssyncadd.s32 $0xFFFFC000  }
0x21: {  	[spmem:s2] =	stream.indirect.scatter.add.f32 [tilespmem:s15], [sflag:$0x2], $0x80, s31, s14, $0xb8;
	[tilespmem:$0x1D000] =	vst v63  }
0x22: {  	_ =	swait.ge [sflag:s12], $0x4000  }
0x23: {  	s19 =	simm.s32 $0x400;
	s18 =	simm.s32 $0x200;
	[sflag:s12] =	ssyncset.done $0x0  }
.LBB2_2:
0x24: {  	s20 =	sshra.s32 s18, $0x2  }
0x25: {  	[sflag:s12] =	ssyncadd.s32 $0xFFFFC000;
	s18 =	smov.u32 s19;
	s21 =	sadd.s32 $0x200, s19  }
0x26: {  	[tilespmem:s15], [sflag:$0x1] =	stream.indirect.gather [hbm4b:s4+s14], $0x80, s20, s14, $0xb8;
	[tilespmem:$0x1D000] =	vst v63  }
0x27: {  	p0 =	sne.s32 s19, $0x9C00;
	_ =	swait.ge [sflag:s16], $0x4000  }
.Ltmp0:
0x28: {  	[sflag:s16] =	ssyncset.done $0x0;
	(pc) =	sbr.rel @p0 .LBB2_2-.Ltmp0, $4  }
0x29: {  	s19 =	sadd.s32 $0x2800, s20;
	[sflag:s16] =	ssyncadd.s32 $0xFFFFC000  }
0x2a: {  	[spmem:s2] =	stream.indirect.scatter.add.f32 [tilespmem:s15], [sflag:$0x2], $0x80, s19, s14, $0xb8;
	[tilespmem:$0x1D000] =	vst v63  }
0x2b: {  	_ =	swait.ge [sflag:s12], $0x4000  }
0x2c: {  	s19 =	smov.u32 s21;
	[sflag:s12] =	ssyncset.done $0x0  }
0x2d: {  	s18 =	sshra.s32 s18, $0x2;
	[sflag:s12] =	ssyncadd.s32 $0xFFFFC000  }
0x2e: {  	[tilespmem:s15], [sflag:$0x1] =	stream.indirect.gather [hbm4b:s4+s14], $0x80, s18, s14, $0xb8;
	[tilespmem:$0x1D000] =	vst v63  }
0x2f: {  	_ =	swait.ge [sflag:s16], $0x4000  }
0x30: {  	[sflag:s16] =	ssyncset.done $0x0  }
0x31: {  	s18 =	sadd.s32 $0x2800, s18;
	[sflag:s16] =	ssyncadd.s32 $0xFFFFC000  }
0x32: {  	[spmem:s2] =	stream.indirect.scatter.add.f32 [tilespmem:s15], [sflag:$0x2], $0x80, s18, s14, $0xb8;
	[tilespmem:$0x1D000] =	vst v63  }
0x33: {  	_ =	swait.ge [sflag:s12], $0x4000  }
0x34: {  	s17 =	sadd.s32 $0x1, s17;
	[sflag:s12] =	ssyncset.done $0x0  }
0x35: {  	p0 =	sne.s32 s17, s10;
	[sflag:s12] =	ssyncadd.s32 $0xFFFFC000  }
.Ltmp1:
0x36: {  	[bflag:$0x0] =	sbarrier.arrive $0xFFFF;
	(pc) =	sbr.rel @p0 .LBB2_1-.Ltmp1, $4  }
0x37: {  	[hbm:s9], [sflag:s6] =	dma.local [spmem:s11], $0x2800  }
0x38: {  	_ =	swait.ge [sflag:s12], $0x2800  }
0x39: {  	[sflag:s12] =	ssyncset.done $0x0  }
0x3a: {  	[sflag:s12] =	ssyncadd.s32 $0xFFFFD800  }
0x3b: {  	_ =	sfence.sel $0x180000  }
0x3c: {  	[bflag:$0x0] =	sbarrier.arrive $0xFFFF  }
0x3d: {  	p0 =	sne.s32 s0, $0x0;
	_ =	strace $0x9000004A  }
0x3e: {  	s0 =	sadd.s32 @!p0 $0x100000, s1;
	[bflag:$0x2] =	sbarrier.arrive $0xFFFF  }
0x3f: {  	[sflag:s0] =	ssyncadd.tile.s32 @!p0 $0x1;
	_ =	shalt  }
.Lfunc_end2:
_tile_overlayer_lowered:
.L_overlay_start_2:
0x40: {  	(tag) =	ssettag $0x2  }
0x41: {  	s0 =	rddreg [dreg:$0x0];
	s2 =	stileid.u32  }
0x42: {  	s1 =	rddreg [dreg:$0x1];
	p0 =	sne.s32 s2, $0x0  }
0x43: {  	s3 =	rddreg [dreg:$0x2];
	[bflag:$0x3] =	sbarrier.arrive $0xFFFF;
	s2 =	simm.s32 @!p0 $0x1C02  }
0x44: {  	[timem:s3], [sflag:s2] =	dma.local @!p0 [hbm:s0], s1  }
0x45: {  	s0 =	simm.s32 @!p0 $0x2  }
0x46: {  	_ =	swait.ge @!p0 [sflag:s0], s1  }
0x47: {  	s1 =	ssub.s32 @!p0 $0x0, s1;
	[sflag:s0] =	ssyncset.done @!p0 $0x0  }
0x48: {  	[sflag:s0] =	ssyncadd.s32 @!p0 s1  }
0x49: {  	[bflag:$0x3] =	sbarrier.arrive $0xFFFF  }
0x4a: {  	_ =	shalt  }

</sc_bundles>
